<compile_context>
chip_gen: v7x
topology: tpu7x:2x2x1
jax: 0.10.2.dev20260603
libtpu: 0.0.44.dev20260713+nightly
codegen_flags: <defaults>
</compile_context>

<pallas_src>
import functools

import jax
import jax.numpy as jnp
from jax import lax
from jax.experimental import pallas as pl
from jax.experimental.pallas import tpu as pltpu
from jax.experimental.pallas import tpu_sc as plsc

_B = 16384
_D = 6
_NC = 2
_NS = 16
_NW = _NC * _NS
_CHUNK = 128
_G = _B // _CHUNK
_CH_PER_W = _G // _NW


def _sc_gather_soa(table_flat, idx2d, n_cams):
    mesh = plsc.VectorSubcoreMesh(core_axis_name="c", subcore_axis_name="s")

    @functools.partial(
        pl.kernel,
        mesh=mesh,
        out_type=jax.ShapeDtypeStruct((_D * _G, _CHUNK), jnp.float32),
        scratch_types=[
            pltpu.VMEM((_CH_PER_W, _CHUNK), jnp.int32),
            pltpu.VMEM((_D * _CH_PER_W, _CHUNK), jnp.float32),
            pltpu.SemaphoreType.DMA,
            pltpu.SemaphoreType.DMA,
        ],
    )
    def gather_kernel(table_hbm, idx_hbm, out_hbm, idx_v, col_v, sem, sem_out):
        wid = lax.axis_index("s") * _NC + lax.axis_index("c")
        pltpu.sync_copy(idx_hbm.at[pl.ds(wid * _CH_PER_W, _CH_PER_W)], idx_v)
        copies = []
        for c in range(_D):
            col_ref = table_hbm.at[pl.ds(c * n_cams, n_cams)]
            for j in range(_CH_PER_W):
                copies.append(
                    pltpu.async_copy(col_ref.at[idx_v.at[j]],
                                     col_v.at[c * _CH_PER_W + j], sem))
        out_copies = []
        for c in range(_D):
            for cp in copies[c * _CH_PER_W:(c + 1) * _CH_PER_W]:
                cp.wait()
            out_copies.append(pltpu.async_copy(
                col_v.at[pl.ds(c * _CH_PER_W, _CH_PER_W)],
                out_hbm.at[pl.ds(c * _G + wid * _CH_PER_W, _CH_PER_W)],
                sem_out))
        for cp in out_copies:
            cp.wait()

    return gather_kernel(table_flat, idx2d)


def _expmap_body(tvT_ref, out_ref):
    vx = tvT_ref[0]
    vy = tvT_ref[1]
    vz = tvT_ref[2]
    wx = tvT_ref[3]
    wy = tvT_ref[4]
    wz = tvT_ref[5]

    theta2 = wx * wx + wy * wy + wz * wz
    near = theta2 < 1e-4
    one = jnp.ones_like(theta2)
    theta2_nz = jnp.where(near, one, theta2)
    inv_t = jax.lax.rsqrt(theta2_nz)
    theta = theta2_nz * inv_t
    inv_t2 = inv_t * inv_t
    inv_t3 = inv_t2 * inv_t

    sine = jnp.sin(theta)
    cosine = jnp.where(near, 8.0 / (4.0 + theta2) - 1.0, jnp.cos(theta))
    sbt = jnp.where(near, 0.5 * cosine + 0.5, sine * inv_t)
    omc = jnp.where(near, 0.5 * sbt, (1.0 - cosine) * inv_t2)

    out_ref[0] = omc * wx * wx + cosine
    out_ref[3] = omc * wx * wy - sbt * wz
    out_ref[6] = omc * wx * wz + sbt * wy
    out_ref[1] = omc * wy * wx + sbt * wz
    out_ref[4] = omc * wy * wy + cosine
    out_ref[7] = omc * wy * wz - sbt * wx
    out_ref[2] = omc * wz * wx - sbt * wy
    out_ref[5] = omc * wz * wy + sbt * wx
    out_ref[8] = omc * wz * wz + cosine

    sbt2 = jnp.where(near, 1.0 - theta2 / 6.0, sbt)
    omc2 = jnp.where(near, 0.5 - theta2 / 24.0, omc)
    tms3 = jnp.where(near, 1.0 / 6.0 - theta2 / 120.0,
                     (theta - sine) * inv_t3)
    wdotv = wx * vx + wy * vy + wz * vz
    out_ref[9] = sbt2 * vx + omc2 * (wy * vz - wz * vy) + tms3 * wdotv * wx
    out_ref[10] = sbt2 * vy + omc2 * (wz * vx - wx * vz) + tms3 * wdotv * wy
    out_ref[11] = sbt2 * vz + omc2 * (wx * vy - wy * vx) + tms3 * wdotv * wz


_EG = 2


def _expmap(tvT3):
    return pl.pallas_call(
        _expmap_body,
        grid=(_EG,),
        in_specs=[pl.BlockSpec((_D, _G // _EG, _CHUNK), lambda i: (0, i, 0))],
        out_specs=pl.BlockSpec((12, _G // _EG, _CHUNK), lambda i: (0, i, 0)),
        out_shape=jax.ShapeDtypeStruct((12, _G, _CHUNK), jnp.float32),
    )(tvT3)


def kernel(indices, pose_adjustment_weight):
    n_cams = pose_adjustment_weight.shape[0]
    idx2d = indices.astype(jnp.int32).reshape(_G, _CHUNK)
    table_flat = pose_adjustment_weight.T.reshape(-1)
    soa = _sc_gather_soa(table_flat, idx2d, n_cams)
    out12 = _expmap(soa.reshape(_D, _G, _CHUNK))
    return out12.reshape(4, 3, _B).transpose(2, 1, 0)

# --- scband reference (transcript-rebuilt; emitter-appended) ---
"""Pipeline reference for scband-barfoptimizer-45449343926943 (READ-ONLY COPY).

The authoritative reference and input builder live on the scoring server;
editing this copy changes nothing except your own understanding.
"""

import jax, jax.numpy as jnp
import numpy as np

NUM_CAMERAS = 100000
BATCH = 16384


def exp_map(tangent_vector):
    tv = tangent_vector
    lin = tv[:, :3].reshape(-1, 3, 1)
    ang = tv[:, 3:].reshape(-1, 3, 1)
    theta = jnp.linalg.norm(ang, axis=1)[:, None]  # [N,1,1]
    theta2 = theta ** 2
    theta3 = theta ** 3
    near_zero = theta < 0.01
    one = jnp.ones((), dtype=tv.dtype)
    theta_nz = jnp.where(near_zero, one, theta)
    theta2_nz = jnp.where(near_zero, one, theta2)
    theta3_nz = jnp.where(near_zero, one, theta3)
    sine = jnp.sin(theta)
    cosine = jnp.where(near_zero, 8.0 / (4.0 + theta2) - 1.0, jnp.cos(theta))
    sine_by_theta = jnp.where(near_zero, 0.5 * cosine + 0.5, sine / theta_nz)
    omc = jnp.where(near_zero, 0.5 * sine_by_theta, (1.0 - cosine) / theta2_nz)
    n = tv.shape[0]
    ret = jnp.zeros((n, 3, 4), dtype=tv.dtype)
    ret = ret.at[:, :3, :3].set(omc * jnp.matmul(ang, jnp.transpose(ang, (0, 2, 1))))
    cos_v = cosine.reshape(-1)
    ret = ret.at[:, 0, 0].add(cos_v)
    ret = ret.at[:, 1, 1].add(cos_v)
    ret = ret.at[:, 2, 2].add(cos_v)
    temp = sine_by_theta.reshape(-1, 1) * ang.reshape(-1, 3)
    ret = ret.at[:, 0, 1].add(-temp[:, 2])
    ret = ret.at[:, 1, 0].add(temp[:, 2])
    ret = ret.at[:, 0, 2].add(temp[:, 1])
    ret = ret.at[:, 2, 0].add(-temp[:, 1])
    ret = ret.at[:, 1, 2].add(-temp[:, 0])
    ret = ret.at[:, 2, 1].add(temp[:, 0])
    sine_by_theta = jnp.where(near_zero, 1.0 - theta2 / 6.0, sine_by_theta)
    omc = jnp.where(near_zero, 0.5 - theta2 / 24.0, omc)
    tms3 = jnp.where(near_zero, 1.0 / 6.0 - theta2 / 120.0, (theta - sine) / theta3_nz)
    trans = sine_by_theta * lin
    trans = trans + omc * jnp.cross(ang, lin, axis=1)
    trans = trans + tms3 * jnp.matmul(ang, jnp.matmul(jnp.transpose(ang, (0, 2, 1)), lin))
    ret = ret.at[:, :, 3:].set(trans)
    return ret


def setup_inputs(seed: int = 0) -> dict:
    key = jax.random.key(seed)
    k1, k2 = jax.random.split(key)
    indices = jax.random.randint(k1, (BATCH,), 0, NUM_CAMERAS, dtype=jnp.int64 if jax.config.jax_enable_x64 else jnp.int32)
    # pose_adjustment.weight: nn.Embedding(num_cameras, 6), zero-initialized in the
    # module; use small random values so both exp_map branches are exercised.
    pose_adjustment_weight = 0.1 * jax.random.normal(k2, (NUM_CAMERAS, 6), dtype=jnp.float32)
    return {"indices": indices, "pose_adjustment_weight": pose_adjustment_weight}


def reference(indices, pose_adjustment_weight):
    # forward: gather rows of the pose embedding table, then SE3 exp map -> [B,3,4]
    tv = jnp.take(pose_adjustment_weight, indices, axis=0)
    return exp_map(tv)

if __name__ == "__main__":
    import jax
    _d = setup_inputs()
    print(jax.jit(kernel)(*tuple(_d.values())))

</pallas_src>

<mosaic_0001>
#map = affine_map<(d0, d1) -> (0)>
#map1 = affine_map<(d0, d1) -> (0, 0)>
module attributes {stable_mosaic.version = 14 : i64} {
  func.func @gather_kernel(%arg0: i32, %arg1: i32, %arg2: memref<600000xf32, #tpu.memory_space<hbm>>, %arg3: memref<128x128xi32, #tpu.memory_space<hbm>>, %arg4: memref<768x128xf32, #tpu.memory_space<hbm>>, %arg5: memref<4x128xi32, #tpu.memory_space<vmem>>, %arg6: memref<24x128xf32, #tpu.memory_space<vmem>>, %arg7: memref<!tpu.dma_semaphore, #tpu.memory_space<semaphore_mem>>, %arg8: memref<!tpu.dma_semaphore, #tpu.memory_space<semaphore_mem>>) attributes {dimension_semantics = [#tpu.dimension_semantics<core_parallel>, #tpu.dimension_semantics<subcore_parallel>], iteration_bounds = array<i64: 2, 16>, scalar_prefetch = 0 : i64, scratch_operands = 4 : i64, tpu.core_type = #tpu.core_type<sc_vector_subcore>, window_params = [{transform_indices = #map}, {transform_indices = #map1}, {transform_indices = #map1}]} {
    %mul3A = arith.constant 2 : i32
    %mul3A_0 = arith.muli %arg1, %mul3A : i32
    %add3A = arith.addi %mul3A_0, %arg0 : i32
    %mul3A_1 = arith.constant 4 : i32
    %mul3A_2 = arith.muli %add3A, %mul3A_1 : i32
    "tpu.region"() ({
      %run_scoped3A = tpu.sem_alloc : memref<!tpu.dma_semaphore, #tpu.memory_space<semaphore_mem>>
      %dma_start3A_721 = arith.constant 0 : i32
      %dma_start3A_722 = tpu.memref_slice %arg3[%mul3A_2, %dma_start3A_721] : memref<128x128xi32, #tpu.memory_space<hbm>> -> memref<4x128xi32, #tpu.memory_space<hbm>>
      %dma_start3A_723 = arith.constant 0 : i32
      %dma_start3A_724 = tpu.memref_slice %arg3[%mul3A_2, %dma_start3A_723] : memref<128x128xi32, #tpu.memory_space<hbm>> -> memref<4x128xi32, #tpu.memory_space<hbm>>
      tpu.enqueue_dma source(%dma_start3A_724 : memref<4x128xi32, #tpu.memory_space<hbm>>) target(%arg5 : memref<4x128xi32, #tpu.memory_space<vmem>>) target_semaphore(%run_scoped3A : memref<!tpu.dma_semaphore, #tpu.memory_space<semaphore_mem>>)
      %dma_wait3A_725 = arith.constant 0 : i32
      %dma_wait3A_726 = tpu.memref_slice %arg3[%mul3A_2, %dma_wait3A_725] : memref<128x128xi32, #tpu.memory_space<hbm>> -> memref<4x128xi32, #tpu.memory_space<hbm>>
      %dma_wait3A_727 = arith.constant 0 : i32
      %dma_wait3A_728 = tpu.memref_slice %arg3[%mul3A_2, %dma_wait3A_727] : memref<128x128xi32, #tpu.memory_space<hbm>> -> memref<4x128xi32, #tpu.memory_space<hbm>>
      tpu.wait_dma2 semaphore(%run_scoped3A : memref<!tpu.dma_semaphore, #tpu.memory_space<semaphore_mem>>) src(%dma_wait3A_728 : memref<4x128xi32, #tpu.memory_space<hbm>>) dst(%arg5 : memref<4x128xi32, #tpu.memory_space<vmem>>)
      tpu.yield
    }) : () -> ()
    %dma_start3A = arith.constant 0 : i32
    %dma_start3A_3 = arith.constant 0 : i32
    %dma_start3A_4 = arith.constant 0 : i32
    %dma_start3A_5 = tpu.memref_slice %arg6[%dma_start3A_3, %dma_start3A_4] : memref<24x128xf32, #tpu.memory_space<vmem>> -> memref<1x128xf32, #tpu.memory_space<vmem>>
    %dma_start3A_6 = tpu.memref_squeeze %dma_start3A_5 : memref<1x128xf32, #tpu.memory_space<vmem>> -> memref<128xf32, #tpu.memory_space<vmem>>
    %dma_start3A_7 = arith.constant 0 : i32
    %dma_start3A_8 = tpu.memref_slice %arg5[%dma_start3A, %dma_start3A_7] : memref<4x128xi32, #tpu.memory_space<vmem>> -> memref<1x128xi32, #tpu.memory_space<vmem>>
    %dma_start3A_9 = tpu.memref_squeeze %dma_start3A_8 : memref<1x128xi32, #tpu.memory_space<vmem>> -> memref<128xi32, #tpu.memory_space<vmem>>
    %dma_start3A_10 = arith.constant 0 : i32
    %dma_start3A_11 = tpu.memref_slice %arg2[%dma_start3A_10] : memref<600000xf32, #tpu.memory_space<hbm>> -> memref<100000xf32, #tpu.memory_space<hbm>>
    %dma_start3A_12 = arith.constant 0 : i32
    %dma_start3A_13 = tpu.memref_slice %dma_start3A_11[%dma_start3A_12] : memref<100000xf32, #tpu.memory_space<hbm>> -> memref<100000xf32, #tpu.memory_space<hbm>>
    tpu.enqueue_indirect_dma source(%dma_start3A_13 : memref<100000xf32, #tpu.memory_space<hbm>>) target(%dma_start3A_6 : memref<128xf32, #tpu.memory_space<vmem>>) offsets(%dma_start3A_9 : memref<128xi32, #tpu.memory_space<vmem>>) semaphore(%arg7 : memref<!tpu.dma_semaphore, #tpu.memory_space<semaphore_mem>>)
    %dma_start3A_14 = arith.constant 1 : i32
    %dma_start3A_15 = arith.constant 1 : i32
    %dma_start3A_16 = arith.constant 0 : i32
    %dma_start3A_17 = tpu.memref_slice %arg6[%dma_start3A_15, %dma_start3A_16] : memref<24x128xf32, #tpu.memory_space<vmem>> -> memref<1x128xf32, #tpu.memory_space<vmem>>
    %dma_start3A_18 = tpu.memref_squeeze %dma_start3A_17 : memref<1x128xf32, #tpu.memory_space<vmem>> -> memref<128xf32, #tpu.memory_space<vmem>>
    %dma_start3A_19 = arith.constant 0 : i32
    %dma_start3A_20 = tpu.memref_slice %arg5[%dma_start3A_14, %dma_start3A_19] : memref<4x128xi32, #tpu.memory_space<vmem>> -> memref<1x128xi32, #tpu.memory_space<vmem>>
    %dma_start3A_21 = tpu.memref_squeeze %dma_start3A_20 : memref<1x128xi32, #tpu.memory_space<vmem>> -> memref<128xi32, #tpu.memory_space<vmem>>
    %dma_start3A_22 = arith.constant 0 : i32
    %dma_start3A_23 = tpu.memref_slice %arg2[%dma_start3A_22] : memref<600000xf32, #tpu.memory_space<hbm>> -> memref<100000xf32, #tpu.memory_space<hbm>>
    %dma_start3A_24 = arith.constant 0 : i32
    %dma_start3A_25 = tpu.memref_slice %dma_start3A_23[%dma_start3A_24] : memref<100000xf32, #tpu.memory_space<hbm>> -> memref<100000xf32, #tpu.memory_space<hbm>>
    tpu.enqueue_indirect_dma source(%dma_start3A_25 : memref<100000xf32, #tpu.memory_space<hbm>>) target(%dma_start3A_18 : memref<128xf32, #tpu.memory_space<vmem>>) offsets(%dma_start3A_21 : memref<128xi32, #tpu.memory_space<vmem>>) semaphore(%arg7 : memref<!tpu.dma_semaphore, #tpu.memory_space<semaphore_mem>>)
    %dma_start3A_26 = arith.constant 2 : i32
    %dma_start3A_27 = arith.constant 2 : i32
    %dma_start3A_28 = arith.constant 0 : i32
    %dma_start3A_29 = tpu.memref_slice %arg6[%dma_start3A_27, %dma_start3A_28] : memref<24x128xf32, #tpu.memory_space<vmem>> -> memref<1x128xf32, #tpu.memory_space<vmem>>
    %dma_start3A_30 = tpu.memref_squeeze %dma_start3A_29 : memref<1x128xf32, #tpu.memory_space<vmem>> -> memref<128xf32, #tpu.memory_space<vmem>>
    %dma_start3A_31 = arith.constant 0 : i32
    %dma_start3A_32 = tpu.memref_slice %arg5[%dma_start3A_26, %dma_start3A_31] : memref<4x128xi32, #tpu.memory_space<vmem>> -> memref<1x128xi32, #tpu.memory_space<vmem>>
    %dma_start3A_33 = tpu.memref_squeeze %dma_start3A_32 : memref<1x128xi32, #tpu.memory_space<vmem>> -> memref<128xi32, #tpu.memory_space<vmem>>
    %dma_start3A_34 = arith.constant 0 : i32
    %dma_start3A_35 = tpu.memref_slice %arg2[%dma_start3A_34] : memref<600000xf32, #tpu.memory_space<hbm>> -> memref<100000xf32, #tpu.memory_space<hbm>>
    %dma_start3A_36 = arith.constant 0 : i32
    %dma_start3A_37 = tpu.memref_slice %dma_start3A_35[%dma_start3A_36] : memref<100000xf32, #tpu.memory_space<hbm>> -> memref<100000xf32, #tpu.memory_space<hbm>>
    tpu.enqueue_indirect_dma source(%dma_start3A_37 : memref<100000xf32, #tpu.memory_space<hbm>>) target(%dma_start3A_30 : memref<128xf32, #tpu.memory_space<vmem>>) offsets(%dma_start3A_33 : memref<128xi32, #tpu.memory_space<vmem>>) semaphore(%arg7 : memref<!tpu.dma_semaphore, #tpu.memory_space<semaphore_mem>>)
    %dma_start3A_38 = arith.constant 3 : i32
    %dma_start3A_39 = arith.constant 3 : i32
    %dma_start3A_40 = arith.constant 0 : i32
    %dma_start3A_41 = tpu.memref_slice %arg6[%dma_start3A_39, %dma_start3A_40] : memref<24x128xf32, #tpu.memory_space<vmem>> -> memref<1x128xf32, #tpu.memory_space<vmem>>
    %dma_start3A_42 = tpu.memref_squeeze %dma_start3A_41 : memref<1x128xf32, #tpu.memory_space<vmem>> -> memref<128xf32, #tpu.memory_space<vmem>>
    %dma_start3A_43 = arith.constant 0 : i32
    %dma_start3A_44 = tpu.memref_slice %arg5[%dma_start3A_38, %dma_start3A_43] : memref<4x128xi32, #tpu.memory_space<vmem>> -> memref<1x128xi32, #tpu.memory_space<vmem>>
    %dma_start3A_45 = tpu.memref_squeeze %dma_start3A_44 : memref<1x128xi32, #tpu.memory_space<vmem>> -> memref<128xi32, #tpu.memory_space<vmem>>
    %dma_start3A_46 = arith.constant 0 : i32
    %dma_start3A_47 = tpu.memref_slice %arg2[%dma_start3A_46] : memref<600000xf32, #tpu.memory_space<hbm>> -> memref<100000xf32, #tpu.memory_space<hbm>>
    %dma_start3A_48 = arith.constant 0 : i32
    %dma_start3A_49 = tpu.memref_slice %dma_start3A_47[%dma_start3A_48] : memref<100000xf32, #tpu.memory_space<hbm>> -> memref<100000xf32, #tpu.memory_space<hbm>>
    tpu.enqueue_indirect_dma source(%dma_start3A_49 : memref<100000xf32, #tpu.memory_space<hbm>>) target(%dma_start3A_42 : memref<128xf32, #tpu.memory_space<vmem>>) offsets(%dma_start3A_45 : memref<128xi32, #tpu.memory_space<vmem>>) semaphore(%arg7 : memref<!tpu.dma_semaphore, #tpu.memory_space<semaphore_mem>>)
    %dma_start3A_50 = arith.constant 0 : i32
    %dma_start3A_51 = arith.constant 4 : i32
    %dma_start3A_52 = arith.constant 0 : i32
    %dma_start3A_53 = tpu.memref_slice %arg6[%dma_start3A_51, %dma_start3A_52] : memref<24x128xf32, #tpu.memory_space<vmem>> -> memref<1x128xf32, #tpu.memory_space<vmem>>
    %dma_start3A_54 = tpu.memref_squeeze %dma_start3A_53 : memref<1x128xf32, #tpu.memory_space<vmem>> -> memref<128xf32, #tpu.memory_space<vmem>>
    %dma_start3A_55 = arith.constant 0 : i32
    %dma_start3A_56 = tpu.memref_slice %arg5[%dma_start3A_50, %dma_start3A_55] : memref<4x128xi32, #tpu.memory_space<vmem>> -> memref<1x128xi32, #tpu.memory_space<vmem>>
    %dma_start3A_57 = tpu.memref_squeeze %dma_start3A_56 : memref<1x128xi32, #tpu.memory_space<vmem>> -> memref<128xi32, #tpu.memory_space<vmem>>
    %dma_start3A_58 = arith.constant 100000 : i32
    %dma_start3A_59 = tpu.memref_slice %arg2[%dma_start3A_58] : memref<600000xf32, #tpu.memory_space<hbm>> -> memref<100000xf32, #tpu.memory_space<hbm>>
    %dma_start3A_60 = arith.constant 0 : i32
    %dma_start3A_61 = tpu.memref_slice %dma_start3A_59[%dma_start3A_60] : memref<100000xf32, #tpu.memory_space<hbm>> -> memref<100000xf32, #tpu.memory_space<hbm>>
    tpu.enqueue_indirect_dma source(%dma_start3A_61 : memref<100000xf32, #tpu.memory_space<hbm>>) target(%dma_start3A_54 : memref<128xf32, #tpu.memory_space<vmem>>) offsets(%dma_start3A_57 : memref<128xi32, #tpu.memory_space<vmem>>) semaphore(%arg7 : memref<!tpu.dma_semaphore, #tpu.memory_space<semaphore_mem>>)
    %dma_start3A_62 = arith.constant 1 : i32
    %dma_start3A_63 = arith.constant 5 : i32
    %dma_start3A_64 = arith.constant 0 : i32
    %dma_start3A_65 = tpu.memref_slice %arg6[%dma_start3A_63, %dma_start3A_64] : memref<24x128xf32, #tpu.memory_space<vmem>> -> memref<1x128xf32, #tpu.memory_space<vmem>>
    %dma_start3A_66 = tpu.memref_squeeze %dma_start3A_65 : memref<1x128xf32, #tpu.memory_space<vmem>> -> memref<128xf32, #tpu.memory_space<vmem>>
    %dma_start3A_67 = arith.constant 0 : i32
    %dma_start3A_68 = tpu.memref_slice %arg5[%dma_start3A_62, %dma_start3A_67] : memref<4x128xi32, #tpu.memory_space<vmem>> -> memref<1x128xi32, #tpu.memory_space<vmem>>
    %dma_start3A_69 = tpu.memref_squeeze %dma_start3A_68 : memref<1x128xi32, #tpu.memory_space<vmem>> -> memref<128xi32, #tpu.memory_space<vmem>>
    %dma_start3A_70 = arith.constant 100000 : i32
    %dma_start3A_71 = tpu.memref_slice %arg2[%dma_start3A_70] : memref<600000xf32, #tpu.memory_space<hbm>> -> memref<100000xf32, #tpu.memory_space<hbm>>
    %dma_start3A_72 = arith.constant 0 : i32
    %dma_start3A_73 = tpu.memref_slice %dma_start3A_71[%dma_start3A_72] : memref<100000xf32, #tpu.memory_space<hbm>> -> memref<100000xf32, #tpu.memory_space<hbm>>
    tpu.enqueue_indirect_dma source(%dma_start3A_73 : memref<100000xf32, #tpu.memory_space<hbm>>) target(%dma_start3A_66 : memref<128xf32, #tpu.memory_space<vmem>>) offsets(%dma_start3A_69 : memref<128xi32, #tpu.memory_space<vmem>>) semaphore(%arg7 : memref<!tpu.dma_semaphore, #tpu.memory_space<semaphore_mem>>)
    %dma_start3A_74 = arith.constant 2 : i32
    %dma_start3A_75 = arith.constant 6 : i32
    %dma_start3A_76 = arith.constant 0 : i32
    %dma_start3A_77 = tpu.memref_slice %arg6[%dma_start3A_75, %dma_start3A_76] : memref<24x128xf32, #tpu.memory_space<vmem>> -> memref<1x128xf32, #tpu.memory_space<vmem>>
    %dma_start3A_78 = tpu.memref_squeeze %dma_start3A_77 : memref<1x128xf32, #tpu.memory_space<vmem>> -> memref<128xf32, #tpu.memory_space<vmem>>
    %dma_start3A_79 = arith.constant 0 : i32
    %dma_start3A_80 = tpu.memref_slice %arg5[%dma_start3A_74, %dma_start3A_79] : memref<4x128xi32, #tpu.memory_space<vmem>> -> memref<1x128xi32, #tpu.memory_space<vmem>>
    %dma_start3A_81 = tpu.memref_squeeze %dma_start3A_80 : memref<1x128xi32, #tpu.memory_space<vmem>> -> memref<128xi32, #tpu.memory_space<vmem>>
    %dma_start3A_82 = arith.constant 100000 : i32
    %dma_start3A_83 = tpu.memref_slice %arg2[%dma_start3A_82] : memref<600000xf32, #tpu.memory_space<hbm>> -> memref<100000xf32, #tpu.memory_space<hbm>>
    %dma_start3A_84 = arith.constant 0 : i32
    %dma_start3A_85 = tpu.memref_slice %dma_start3A_83[%dma_start3A_84] : memref<100000xf32, #tpu.memory_space<hbm>> -> memref<100000xf32, #tpu.memory_space<hbm>>
    tpu.enqueue_indirect_dma source(%dma_start3A_85 : memref<100000xf32, #tpu.memory_space<hbm>>) target(%dma_start3A_78 : memref<128xf32, #tpu.memory_space<vmem>>) offsets(%dma_start3A_81 : memref<128xi32, #tpu.memory_space<vmem>>) semaphore(%arg7 : memref<!tpu.dma_semaphore, #tpu.memory_space<semaphore_mem>>)
    %dma_start3A_86 = arith.constant 3 : i32
    %dma_start3A_87 = arith.constant 7 : i32
    %dma_start3A_88 = arith.constant 0 : i32
    %dma_start3A_89 = tpu.memref_slice %arg6[%dma_start3A_87, %dma_start3A_88] : memref<24x128xf32, #tpu.memory_space<vmem>> -> memref<1x128xf32, #tpu.memory_space<vmem>>
    %dma_start3A_90 = tpu.memref_squeeze %dma_start3A_89 : memref<1x128xf32, #tpu.memory_space<vmem>> -> memref<128xf32, #tpu.memory_space<vmem>>
    %dma_start3A_91 = arith.constant 0 : i32
    %dma_start3A_92 = tpu.memref_slice %arg5[%dma_start3A_86, %dma_start3A_91] : memref<4x128xi32, #tpu.memory_space<vmem>> -> memref<1x128xi32, #tpu.memory_space<vmem>>
    %dma_start3A_93 = tpu.memref_squeeze %dma_start3A_92 : memref<1x128xi32, #tpu.memory_space<vmem>> -> memref<128xi32, #tpu.memory_space<vmem>>
    %dma_start3A_94 = arith.constant 100000 : i32
    %dma_start3A_95 = tpu.memref_slice %arg2[%dma_start3A_94] : memref<600000xf32, #tpu.memory_space<hbm>> -> memref<100000xf32, #tpu.memory_space<hbm>>
    %dma_start3A_96 = arith.constant 0 : i32
    %dma_start3A_97 = tpu.memref_slice %dma_start3A_95[%dma_start3A_96] : memref<100000xf32, #tpu.memory_space<hbm>> -> memref<100000xf32, #tpu.memory_space<hbm>>
    tpu.enqueue_indirect_dma source(%dma_start3A_97 : memref<100000xf32, #tpu.memory_space<hbm>>) target(%dma_start3A_90 : memref<128xf32, #tpu.memory_space<vmem>>) offsets(%dma_start3A_93 : memref<128xi32, #tpu.memory_space<vmem>>) semaphore(%arg7 : memref<!tpu.dma_semaphore, #tpu.memory_space<semaphore_mem>>)
    %dma_start3A_98 = arith.constant 0 : i32
    %dma_start3A_99 = arith.constant 8 : i32
    %dma_start3A_100 = arith.constant 0 : i32
    %dma_start3A_101 = tpu.memref_slice %arg6[%dma_start3A_99, %dma_start3A_100] : memref<24x128xf32, #tpu.memory_space<vmem>> -> memref<1x128xf32, #tpu.memory_space<vmem>>
    %dma_start3A_102 = tpu.memref_squeeze %dma_start3A_101 : memref<1x128xf32, #tpu.memory_space<vmem>> -> memref<128xf32, #tpu.memory_space<vmem>>
    %dma_start3A_103 = arith.constant 0 : i32
    %dma_start3A_104 = tpu.memref_slice %arg5[%dma_start3A_98, %dma_start3A_103] : memref<4x128xi32, #tpu.memory_space<vmem>> -> memref<1x128xi32, #tpu.memory_space<vmem>>
    %dma_start3A_105 = tpu.memref_squeeze %dma_start3A_104 : memref<1x128xi32, #tpu.memory_space<vmem>> -> memref<128xi32, #tpu.memory_space<vmem>>
    %dma_start3A_106 = arith.constant 200000 : i32
    %dma_start3A_107 = tpu.memref_slice %arg2[%dma_start3A_106] : memref<600000xf32, #tpu.memory_space<hbm>> -> memref<100000xf32, #tpu.memory_space<hbm>>
    %dma_start3A_108 = arith.constant 0 : i32
    %dma_start3A_109 = tpu.memref_slice %dma_start3A_107[%dma_start3A_108] : memref<100000xf32, #tpu.memory_space<hbm>> -> memref<100000xf32, #tpu.memory_space<hbm>>
    tpu.enqueue_indirect_dma source(%dma_start3A_109 : memref<100000xf32, #tpu.memory_space<hbm>>) target(%dma_start3A_102 : memref<128xf32, #tpu.memory_space<vmem>>) offsets(%dma_start3A_105 : memref<128xi32, #tpu.memory_space<vmem>>) semaphore(%arg7 : memref<!tpu.dma_semaphore, #tpu.memory_space<semaphore_mem>>)
    %dma_start3A_110 = arith.constant 1 : i32
    %dma_start3A_111 = arith.constant 9 : i32
    %dma_start3A_112 = arith.constant 0 : i32
    %dma_start3A_113 = tpu.memref_slice %arg6[%dma_start3A_111, %dma_start3A_112] : memref<24x128xf32, #tpu.memory_space<vmem>> -> memref<1x128xf32, #tpu.memory_space<vmem>>
    %dma_start3A_114 = tpu.memref_squeeze %dma_start3A_113 : memref<1x128xf32, #tpu.memory_space<vmem>> -> memref<128xf32, #tpu.memory_space<vmem>>
    %dma_start3A_115 = arith.constant 0 : i32
    %dma_start3A_116 = tpu.memref_slice %arg5[%dma_start3A_110, %dma_start3A_115] : memref<4x128xi32, #tpu.memory_space<vmem>> -> memref<1x128xi32, #tpu.memory_space<vmem>>
    %dma_start3A_117 = tpu.memref_squeeze %dma_start3A_116 : memref<1x128xi32, #tpu.memory_space<vmem>> -> memref<128xi32, #tpu.memory_space<vmem>>
    %dma_start3A_118 = arith.constant 200000 : i32
    %dma_start3A_119 = tpu.memref_slice %arg2[%dma_start3A_118] : memref<600000xf32, #tpu.memory_space<hbm>> -> memref<100000xf32, #tpu.memory_space<hbm>>
    %dma_start3A_120 = arith.constant 0 : i32
    %dma_start3A_121 = tpu.memref_slice %dma_start3A_119[%dma_start3A_120] : memref<100000xf32, #tpu.memory_space<hbm>> -> memref<100000xf32, #tpu.memory_space<hbm>>
    tpu.enqueue_indirect_dma source(%dma_start3A_121 : memref<100000xf32, #tpu.memory_space<hbm>>) target(%dma_start3A_114 : memref<128xf32, #tpu.memory_space<vmem>>) offsets(%dma_start3A_117 : memref<128xi32, #tpu.memory_space<vmem>>) semaphore(%arg7 : memref<!tpu.dma_semaphore, #tpu.memory_space<semaphore_mem>>)
    %dma_start3A_122 = arith.constant 2 : i32
    %dma_start3A_123 = arith.constant 10 : i32
    %dma_start3A_124 = arith.constant 0 : i32
    %dma_start3A_125 = tpu.memref_slice %arg6[%dma_start3A_123, %dma_start3A_124] : memref<24x128xf32, #tpu.memory_space<vmem>> -> memref<1x128xf32, #tpu.memory_space<vmem>>
    %dma_start3A_126 = tpu.memref_squeeze %dma_start3A_125 : memref<1x128xf32, #tpu.memory_space<vmem>> -> memref<128xf32, #tpu.memory_space<vmem>>
    %dma_start3A_127 = arith.constant 0 : i32
    %dma_start3A_128 = tpu.memref_slice %arg5[%dma_start3A_122, %dma_start3A_127] : memref<4x128xi32, #tpu.memory_space<vmem>> -> memref<1x128xi32, #tpu.memory_space<vmem>>
    %dma_start3A_129 = tpu.memref_squeeze %dma_start3A_128 : memref<1x128xi32, #tpu.memory_space<vmem>> -> memref<128xi32, #tpu.memory_space<vmem>>
    %dma_start3A_130 = arith.constant 200000 : i32
    %dma_start3A_131 = tpu.memref_slice %arg2[%dma_start3A_130] : memref<600000xf32, #tpu.memory_space<hbm>> -> memref<100000xf32, #tpu.memory_space<hbm>>
    %dma_start3A_132 = arith.constant 0 : i32
    %dma_start3A_133 = tpu.memref_slice %dma_start3A_131[%dma_start3A_132] : memref<100000xf32, #tpu.memory_space<hbm>> -> memref<100000xf32, #tpu.memory_space<hbm>>
    tpu.enqueue_indirect_dma source(%dma_start3A_133 : memref<100000xf32, #tpu.memory_space<hbm>>) target(%dma_start3A_126 : memref<128xf32, #tpu.memory_space<vmem>>) offsets(%dma_start3A_129 : memref<128xi32, #tpu.memory_space<vmem>>) semaphore(%arg7 : memref<!tpu.dma_semaphore, #tpu.memory_space<semaphore_mem>>)
    %dma_start3A_134 = arith.constant 3 : i32
    %dma_start3A_135 = arith.constant 11 : i32
    %dma_start3A_136 = arith.constant 0 : i32
    %dma_start3A_137 = tpu.memref_slice %arg6[%dma_start3A_135, %dma_start3A_136] : memref<24x128xf32, #tpu.memory_space<vmem>> -> memref<1x128xf32, #tpu.memory_space<vmem>>
    %dma_start3A_138 = tpu.memref_squeeze %dma_start3A_137 : memref<1x128xf32, #tpu.memory_space<vmem>> -> memref<128xf32, #tpu.memory_space<vmem>>
    %dma_start3A_139 = arith.constant 0 : i32
    %dma_start3A_140 = tpu.memref_slice %arg5[%dma_start3A_134, %dma_start3A_139] : memref<4x128xi32, #tpu.memory_space<vmem>> -> memref<1x128xi32, #tpu.memory_space<vmem>>
    %dma_start3A_141 = tpu.memref_squeeze %dma_start3A_140 : memref<1x128xi32, #tpu.memory_space<vmem>> -> memref<128xi32, #tpu.memory_space<vmem>>
    %dma_start3A_142 = arith.constant 200000 : i32
    %dma_start3A_143 = tpu.memref_slice %arg2[%dma_start3A_142] : memref<600000xf32, #tpu.memory_space<hbm>> -> memref<100000xf32, #tpu.memory_space<hbm>>
    %dma_start3A_144 = arith.constant 0 : i32
    %dma_start3A_145 = tpu.memref_slice %dma_start3A_143[%dma_start3A_144] : memref<100000xf32, #tpu.memory_space<hbm>> -> memref<100000xf32, #tpu.memory_space<hbm>>
    tpu.enqueue_indirect_dma source(%dma_start3A_145 : memref<100000xf32, #tpu.memory_space<hbm>>) target(%dma_start3A_138 : memref<128xf32, #tpu.memory_space<vmem>>) offsets(%dma_start3A_141 : memref<128xi32, #tpu.memory_space<vmem>>) semaphore(%arg7 : memref<!tpu.dma_semaphore, #tpu.memory_space<semaphore_mem>>)
    %dma_start3A_146 = arith.constant 0 : i32
    %dma_start3A_147 = arith.constant 12 : i32
    %dma_start3A_148 = arith.constant 0 : i32
    %dma_start3A_149 = tpu.memref_slice %arg6[%dma_start3A_147, %dma_start3A_148] : memref<24x128xf32, #tpu.memory_space<vmem>> -> memref<1x128xf32, #tpu.memory_space<vmem>>
    %dma_start3A_150 = tpu.memref_squeeze %dma_start3A_149 : memref<1x128xf32, #tpu.memory_space<vmem>> -> memref<128xf32, #tpu.memory_space<vmem>>
    %dma_start3A_151 = arith.constant 0 : i32
    %dma_start3A_152 = tpu.memref_slice %arg5[%dma_start3A_146, %dma_start3A_151] : memref<4x128xi32, #tpu.memory_space<vmem>> -> memref<1x128xi32, #tpu.memory_space<vmem>>
    %dma_start3A_153 = tpu.memref_squeeze %dma_start3A_152 : memref<1x128xi32, #tpu.memory_space<vmem>> -> memref<128xi32, #tpu.memory_space<vmem>>
    %dma_start3A_154 = arith.constant 300000 : i32
    %dma_start3A_155 = tpu.memref_slice %arg2[%dma_start3A_154] : memref<600000xf32, #tpu.memory_space<hbm>> -> memref<100000xf32, #tpu.memory_space<hbm>>
    %dma_start3A_156 = arith.constant 0 : i32
    %dma_start3A_157 = tpu.memref_slice %dma_start3A_155[%dma_start3A_156] : memref<100000xf32, #tpu.memory_space<hbm>> -> memref<100000xf32, #tpu.memory_space<hbm>>
    tpu.enqueue_indirect_dma source(%dma_start3A_157 : memref<100000xf32, #tpu.memory_space<hbm>>) target(%dma_start3A_150 : memref<128xf32, #tpu.memory_space<vmem>>) offsets(%dma_start3A_153 : memref<128xi32, #tpu.memory_space<vmem>>) semaphore(%arg7 : memref<!tpu.dma_semaphore, #tpu.memory_space<semaphore_mem>>)
    %dma_start3A_158 = arith.constant 1 : i32
    %dma_start3A_159 = arith.constant 13 : i32
    %dma_start3A_160 = arith.constant 0 : i32
    %dma_start3A_161 = tpu.memref_slice %arg6[%dma_start3A_159, %dma_start3A_160] : memref<24x128xf32, #tpu.memory_space<vmem>> -> memref<1x128xf32, #tpu.memory_space<vmem>>
    %dma_start3A_162 = tpu.memref_squeeze %dma_start3A_161 : memref<1x128xf32, #tpu.memory_space<vmem>> -> memref<128xf32, #tpu.memory_space<vmem>>
    %dma_start3A_163 = arith.constant 0 : i32
    %dma_start3A_164 = tpu.memref_slice %arg5[%dma_start3A_158, %dma_start3A_163] : memref<4x128xi32, #tpu.memory_space<vmem>> -> memref<1x128xi32, #tpu.memory_space<vmem>>
    %dma_start3A_165 = tpu.memref_squeeze %dma_start3A_164 : memref<1x128xi32, #tpu.memory_space<vmem>> -> memref<128xi32, #tpu.memory_space<vmem>>
    %dma_start3A_166 = arith.constant 300000 : i32
    %dma_start3A_167 = tpu.memref_slice %arg2[%dma_start3A_166] : memref<600000xf32, #tpu.memory_space<hbm>> -> memref<100000xf32, #tpu.memory_space<hbm>>
    %dma_start3A_168 = arith.constant 0 : i32
    %dma_start3A_169 = tpu.memref_slice %dma_start3A_167[%dma_start3A_168] : memref<100000xf32, #tpu.memory_space<hbm>> -> memref<100000xf32, #tpu.memory_space<hbm>>
    tpu.enqueue_indirect_dma source(%dma_start3A_169 : memref<100000xf32, #tpu.memory_space<hbm>>) target(%dma_start3A_162 : memref<128xf32, #tpu.memory_space<vmem>>) offsets(%dma_start3A_165 : memref<128xi32, #tpu.memory_space<vmem>>) semaphore(%arg7 : memref<!tpu.dma_semaphore, #tpu.memory_space<semaphore_mem>>)
    %dma_start3A_170 = arith.constant 2 : i32
    %dma_start3A_171 = arith.constant 14 : i32
    %dma_start3A_172 = arith.constant 0 : i32
    %dma_start3A_173 = tpu.memref_slice %arg6[%dma_start3A_171, %dma_start3A_172] : memref<24x128xf32, #tpu.memory_space<vmem>> -> memref<1x128xf32, #tpu.memory_space<vmem>>
    %dma_start3A_174 = tpu.memref_squeeze %dma_start3A_173 : memref<1x128xf32, #tpu.memory_space<vmem>> -> memref<128xf32, #tpu.memory_space<vmem>>
    %dma_start3A_175 = arith.constant 0 : i32
    %dma_start3A_176 = tpu.memref_slice %arg5[%dma_start3A_170, %dma_start3A_175] : memref<4x128xi32, #tpu.memory_space<vmem>> -> memref<1x128xi32, #tpu.memory_space<vmem>>
    %dma_start3A_177 = tpu.memref_squeeze %dma_start3A_176 : memref<1x128xi32, #tpu.memory_space<vmem>> -> memref<128xi32, #tpu.memory_space<vmem>>
    %dma_start3A_178 = arith.constant 300000 : i32
    %dma_start3A_179 = tpu.memref_slice %arg2[%dma_start3A_178] : memref<600000xf32, #tpu.memory_space<hbm>> -> memref<100000xf32, #tpu.memory_space<hbm>>
    %dma_start3A_180 = arith.constant 0 : i32
    %dma_start3A_181 = tpu.memref_slice %dma_start3A_179[%dma_start3A_180] : memref<100000xf32, #tpu.memory_space<hbm>> -> memref<100000xf32, #tpu.memory_space<hbm>>
    tpu.enqueue_indirect_dma source(%dma_start3A_181 : memref<100000xf32, #tpu.memory_space<hbm>>) target(%dma_start3A_174 : memref<128xf32, #tpu.memory_space<vmem>>) offsets(%dma_start3A_177 : memref<128xi32, #tpu.memory_space<vmem>>) semaphore(%arg7 : memref<!tpu.dma_semaphore, #tpu.memory_space<semaphore_mem>>)
    %dma_start3A_182 = arith.constant 3 : i32
    %dma_start3A_183 = arith.constant 15 : i32
    %dma_start3A_184 = arith.constant 0 : i32
    %dma_start3A_185 = tpu.memref_slice %arg6[%dma_start3A_183, %dma_start3A_184] : memref<24x128xf32, #tpu.memory_space<vmem>> -> memref<1x128xf32, #tpu.memory_space<vmem>>
    %dma_start3A_186 = tpu.memref_squeeze %dma_start3A_185 : memref<1x128xf32, #tpu.memory_space<vmem>> -> memref<128xf32, #tpu.memory_space<vmem>>
    %dma_start3A_187 = arith.constant 0 : i32
    %dma_start3A_188 = tpu.memref_slice %arg5[%dma_start3A_182, %dma_start3A_187] : memref<4x128xi32, #tpu.memory_space<vmem>> -> memref<1x128xi32, #tpu.memory_space<vmem>>
    %dma_start3A_189 = tpu.memref_squeeze %dma_start3A_188 : memref<1x128xi32, #tpu.memory_space<vmem>> -> memref<128xi32, #tpu.memory_space<vmem>>
    %dma_start3A_190 = arith.constant 300000 : i32
    %dma_start3A_191 = tpu.memref_slice %arg2[%dma_start3A_190] : memref<600000xf32, #tpu.memory_space<hbm>> -> memref<100000xf32, #tpu.memory_space<hbm>>
    %dma_start3A_192 = arith.constant 0 : i32
    %dma_start3A_193 = tpu.memref_slice %dma_start3A_191[%dma_start3A_192] : memref<100000xf32, #tpu.memory_space<hbm>> -> memref<100000xf32, #tpu.memory_space<hbm>>
    tpu.enqueue_indirect_dma source(%dma_start3A_193 : memref<100000xf32, #tpu.memory_space<hbm>>) target(%dma_start3A_186 : memref<128xf32, #tpu.memory_space<vmem>>) offsets(%dma_start3A_189 : memref<128xi32, #tpu.memory_space<vmem>>) semaphore(%arg7 : memref<!tpu.dma_semaphore, #tpu.memory_space<semaphore_mem>>)
    %dma_start3A_194 = arith.constant 0 : i32
    %dma_start3A_195 = arith.constant 16 : i32
    %dma_start3A_196 = arith.constant 0 : i32
    %dma_start3A_197 = tpu.memref_slice %arg6[%dma_start3A_195, %dma_start3A_196] : memref<24x128xf32, #tpu.memory_space<vmem>> -> memref<1x128xf32, #tpu.memory_space<vmem>>
    %dma_start3A_198 = tpu.memref_squeeze %dma_start3A_197 : memref<1x128xf32, #tpu.memory_space<vmem>> -> memref<128xf32, #tpu.memory_space<vmem>>
    %dma_start3A_199 = arith.constant 0 : i32
    %dma_start3A_200 = tpu.memref_slice %arg5[%dma_start3A_194, %dma_start3A_199] : memref<4x128xi32, #tpu.memory_space<vmem>> -> memref<1x128xi32, #tpu.memory_space<vmem>>
    %dma_start3A_201 = tpu.memref_squeeze %dma_start3A_200 : memref<1x128xi32, #tpu.memory_space<vmem>> -> memref<128xi32, #tpu.memory_space<vmem>>
    %dma_start3A_202 = arith.constant 400000 : i32
    %dma_start3A_203 = tpu.memref_slice %arg2[%dma_start3A_202] : memref<600000xf32, #tpu.memory_space<hbm>> -> memref<100000xf32, #tpu.memory_space<hbm>>
    %dma_start3A_204 = arith.constant 0 : i32
    %dma_start3A_205 = tpu.memref_slice %dma_start3A_203[%dma_start3A_204] : memref<100000xf32, #tpu.memory_space<hbm>> -> memref<100000xf32, #tpu.memory_space<hbm>>
    tpu.enqueue_indirect_dma source(%dma_start3A_205 : memref<100000xf32, #tpu.memory_space<hbm>>) target(%dma_start3A_198 : memref<128xf32, #tpu.memory_space<vmem>>) offsets(%dma_start3A_201 : memref<128xi32, #tpu.memory_space<vmem>>) semaphore(%arg7 : memref<!tpu.dma_semaphore, #tpu.memory_space<semaphore_mem>>)
    %dma_start3A_206 = arith.constant 1 : i32
    %dma_start3A_207 = arith.constant 17 : i32
    %dma_start3A_208 = arith.constant 0 : i32
    %dma_start3A_209 = tpu.memref_slice %arg6[%dma_start3A_207, %dma_start3A_208] : memref<24x128xf32, #tpu.memory_space<vmem>> -> memref<1x128xf32, #tpu.memory_space<vmem>>
    %dma_start3A_210 = tpu.memref_squeeze %dma_start3A_209 : memref<1x128xf32, #tpu.memory_space<vmem>> -> memref<128xf32, #tpu.memory_space<vmem>>
    %dma_start3A_211 = arith.constant 0 : i32
    %dma_start3A_212 = tpu.memref_slice %arg5[%dma_start3A_206, %dma_start3A_211] : memref<4x128xi32, #tpu.memory_space<vmem>> -> memref<1x128xi32, #tpu.memory_space<vmem>>
    %dma_start3A_213 = tpu.memref_squeeze %dma_start3A_212 : memref<1x128xi32, #tpu.memory_space<vmem>> -> memref<128xi32, #tpu.memory_space<vmem>>
    %dma_start3A_214 = arith.constant 400000 : i32
    %dma_start3A_215 = tpu.memref_slice %arg2[%dma_start3A_214] : memref<600000xf32, #tpu.memory_space<hbm>> -> memref<100000xf32, #tpu.memory_space<hbm>>
    %dma_start3A_216 = arith.constant 0 : i32
    %dma_start3A_217 = tpu.memref_slice %dma_start3A_215[%dma_start3A_216] : memref<100000xf32, #tpu.memory_space<hbm>> -> memref<100000xf32, #tpu.memory_space<hbm>>
    tpu.enqueue_indirect_dma source(%dma_start3A_217 : memref<100000xf32, #tpu.memory_space<hbm>>) target(%dma_start3A_210 : memref<128xf32, #tpu.memory_space<vmem>>) offsets(%dma_start3A_213 : memref<128xi32, #tpu.memory_space<vmem>>) semaphore(%arg7 : memref<!tpu.dma_semaphore, #tpu.memory_space<semaphore_mem>>)
    %dma_start3A_218 = arith.constant 2 : i32
    %dma_start3A_219 = arith.constant 18 : i32
    %dma_start3A_220 = arith.constant 0 : i32
    %dma_start3A_221 = tpu.memref_slice %arg6[%dma_start3A_219, %dma_start3A_220] : memref<24x128xf32, #tpu.memory_space<vmem>> -> memref<1x128xf32, #tpu.memory_space<vmem>>
    %dma_start3A_222 = tpu.memref_squeeze %dma_start3A_221 : memref<1x128xf32, #tpu.memory_space<vmem>> -> memref<128xf32, #tpu.memory_space<vmem>>
    %dma_start3A_223 = arith.constant 0 : i32
    %dma_start3A_224 = tpu.memref_slice %arg5[%dma_start3A_218, %dma_start3A_223] : memref<4x128xi32, #tpu.memory_space<vmem>> -> memref<1x128xi32, #tpu.memory_space<vmem>>
    %dma_start3A_225 = tpu.memref_squeeze %dma_start3A_224 : memref<1x128xi32, #tpu.memory_space<vmem>> -> memref<128xi32, #tpu.memory_space<vmem>>
    %dma_start3A_226 = arith.constant 400000 : i32
    %dma_start3A_227 = tpu.memref_slice %arg2[%dma_start3A_226] : memref<600000xf32, #tpu.memory_space<hbm>> -> memref<100000xf32, #tpu.memory_space<hbm>>
    %dma_start3A_228 = arith.constant 0 : i32
    %dma_start3A_229 = tpu.memref_slice %dma_start3A_227[%dma_start3A_228] : memref<100000xf32, #tpu.memory_space<hbm>> -> memref<100000xf32, #tpu.memory_space<hbm>>
    tpu.enqueue_indirect_dma source(%dma_start3A_229 : memref<100000xf32, #tpu.memory_space<hbm>>) target(%dma_start3A_222 : memref<128xf32, #tpu.memory_space<vmem>>) offsets(%dma_start3A_225 : memref<128xi32, #tpu.memory_space<vmem>>) semaphore(%arg7 : memref<!tpu.dma_semaphore, #tpu.memory_space<semaphore_mem>>)
    %dma_start3A_230 = arith.constant 3 : i32
    %dma_start3A_231 = arith.constant 19 : i32
    %dma_start3A_232 = arith.constant 0 : i32
    %dma_start3A_233 = tpu.memref_slice %arg6[%dma_start3A_231, %dma_start3A_232] : memref<24x128xf32, #tpu.memory_space<vmem>> -> memref<1x128xf32, #tpu.memory_space<vmem>>
    %dma_start3A_234 = tpu.memref_squeeze %dma_start3A_233 : memref<1x128xf32, #tpu.memory_space<vmem>> -> memref<128xf32, #tpu.memory_space<vmem>>
    %dma_start3A_235 = arith.constant 0 : i32
    %dma_start3A_236 = tpu.memref_slice %arg5[%dma_start3A_230, %dma_start3A_235] : memref<4x128xi32, #tpu.memory_space<vmem>> -> memref<1x128xi32, #tpu.memory_space<vmem>>
    %dma_start3A_237 = tpu.memref_squeeze %dma_start3A_236 : memref<1x128xi32, #tpu.memory_space<vmem>> -> memref<128xi32, #tpu.memory_space<vmem>>
    %dma_start3A_238 = arith.constant 400000 : i32
    %dma_start3A_239 = tpu.memref_slice %arg2[%dma_start3A_238] : memref<600000xf32, #tpu.memory_space<hbm>> -> memref<100000xf32, #tpu.memory_space<hbm>>
    %dma_start3A_240 = arith.constant 0 : i32
    %dma_start3A_241 = tpu.memref_slice %dma_start3A_239[%dma_start3A_240] : memref<100000xf32, #tpu.memory_space<hbm>> -> memref<100000xf32, #tpu.memory_space<hbm>>
    tpu.enqueue_indirect_dma source(%dma_start3A_241 : memref<100000xf32, #tpu.memory_space<hbm>>) target(%dma_start3A_234 : memref<128xf32, #tpu.memory_space<vmem>>) offsets(%dma_start3A_237 : memref<128xi32, #tpu.memory_space<vmem>>) semaphore(%arg7 : memref<!tpu.dma_semaphore, #tpu.memory_space<semaphore_mem>>)
    %dma_start3A_242 = arith.constant 0 : i32
    %dma_start3A_243 = arith.constant 20 : i32
    %dma_start3A_244 = arith.constant 0 : i32
    %dma_start3A_245 = tpu.memref_slice %arg6[%dma_start3A_243, %dma_start3A_244] : memref<24x128xf32, #tpu.memory_space<vmem>> -> memref<1x128xf32, #tpu.memory_space<vmem>>
    %dma_start3A_246 = tpu.memref_squeeze %dma_start3A_245 : memref<1x128xf32, #tpu.memory_space<vmem>> -> memref<128xf32, #tpu.memory_space<vmem>>
    %dma_start3A_247 = arith.constant 0 : i32
    %dma_start3A_248 = tpu.memref_slice %arg5[%dma_start3A_242, %dma_start3A_247] : memref<4x128xi32, #tpu.memory_space<vmem>> -> memref<1x128xi32, #tpu.memory_space<vmem>>
    %dma_start3A_249 = tpu.memref_squeeze %dma_start3A_248 : memref<1x128xi32, #tpu.memory_space<vmem>> -> memref<128xi32, #tpu.memory_space<vmem>>
    %dma_start3A_250 = arith.constant 500000 : i32
    %dma_start3A_251 = tpu.memref_slice %arg2[%dma_start3A_250] : memref<600000xf32, #tpu.memory_space<hbm>> -> memref<100000xf32, #tpu.memory_space<hbm>>
    %dma_start3A_252 = arith.constant 0 : i32
    %dma_start3A_253 = tpu.memref_slice %dma_start3A_251[%dma_start3A_252] : memref<100000xf32, #tpu.memory_space<hbm>> -> memref<100000xf32, #tpu.memory_space<hbm>>
    tpu.enqueue_indirect_dma source(%dma_start3A_253 : memref<100000xf32, #tpu.memory_space<hbm>>) target(%dma_start3A_246 : memref<128xf32, #tpu.memory_space<vmem>>) offsets(%dma_start3A_249 : memref<128xi32, #tpu.memory_space<vmem>>) semaphore(%arg7 : memref<!tpu.dma_semaphore, #tpu.memory_space<semaphore_mem>>)
    %dma_start3A_254 = arith.constant 1 : i32
    %dma_start3A_255 = arith.constant 21 : i32
    %dma_start3A_256 = arith.constant 0 : i32
    %dma_start3A_257 = tpu.memref_slice %arg6[%dma_start3A_255, %dma_start3A_256] : memref<24x128xf32, #tpu.memory_space<vmem>> -> memref<1x128xf32, #tpu.memory_space<vmem>>
    %dma_start3A_258 = tpu.memref_squeeze %dma_start3A_257 : memref<1x128xf32, #tpu.memory_space<vmem>> -> memref<128xf32, #tpu.memory_space<vmem>>
    %dma_start3A_259 = arith.constant 0 : i32
    %dma_start3A_260 = tpu.memref_slice %arg5[%dma_start3A_254, %dma_start3A_259] : memref<4x128xi32, #tpu.memory_space<vmem>> -> memref<1x128xi32, #tpu.memory_space<vmem>>
    %dma_start3A_261 = tpu.memref_squeeze %dma_start3A_260 : memref<1x128xi32, #tpu.memory_space<vmem>> -> memref<128xi32, #tpu.memory_space<vmem>>
    %dma_start3A_262 = arith.constant 500000 : i32
    %dma_start3A_263 = tpu.memref_slice %arg2[%dma_start3A_262] : memref<600000xf32, #tpu.memory_space<hbm>> -> memref<100000xf32, #tpu.memory_space<hbm>>
    %dma_start3A_264 = arith.constant 0 : i32
    %dma_start3A_265 = tpu.memref_slice %dma_start3A_263[%dma_start3A_264] : memref<100000xf32, #tpu.memory_space<hbm>> -> memref<100000xf32, #tpu.memory_space<hbm>>
    tpu.enqueue_indirect_dma source(%dma_start3A_265 : memref<100000xf32, #tpu.memory_space<hbm>>) target(%dma_start3A_258 : memref<128xf32, #tpu.memory_space<vmem>>) offsets(%dma_start3A_261 : memref<128xi32, #tpu.memory_space<vmem>>) semaphore(%arg7 : memref<!tpu.dma_semaphore, #tpu.memory_space<semaphore_mem>>)
    %dma_start3A_266 = arith.constant 2 : i32
    %dma_start3A_267 = arith.constant 22 : i32
    %dma_start3A_268 = arith.constant 0 : i32
    %dma_start3A_269 = tpu.memref_slice %arg6[%dma_start3A_267, %dma_start3A_268] : memref<24x128xf32, #tpu.memory_space<vmem>> -> memref<1x128xf32, #tpu.memory_space<vmem>>
    %dma_start3A_270 = tpu.memref_squeeze %dma_start3A_269 : memref<1x128xf32, #tpu.memory_space<vmem>> -> memref<128xf32, #tpu.memory_space<vmem>>
    %dma_start3A_271 = arith.constant 0 : i32
    %dma_start3A_272 = tpu.memref_slice %arg5[%dma_start3A_266, %dma_start3A_271] : memref<4x128xi32, #tpu.memory_space<vmem>> -> memref<1x128xi32, #tpu.memory_space<vmem>>
    %dma_start3A_273 = tpu.memref_squeeze %dma_start3A_272 : memref<1x128xi32, #tpu.memory_space<vmem>> -> memref<128xi32, #tpu.memory_space<vmem>>
    %dma_start3A_274 = arith.constant 500000 : i32
    %dma_start3A_275 = tpu.memref_slice %arg2[%dma_start3A_274] : memref<600000xf32, #tpu.memory_space<hbm>> -> memref<100000xf32, #tpu.memory_space<hbm>>
    %dma_start3A_276 = arith.constant 0 : i32
    %dma_start3A_277 = tpu.memref_slice %dma_start3A_275[%dma_start3A_276] : memref<100000xf32, #tpu.memory_space<hbm>> -> memref<100000xf32, #tpu.memory_space<hbm>>
    tpu.enqueue_indirect_dma source(%dma_start3A_277 : memref<100000xf32, #tpu.memory_space<hbm>>) target(%dma_start3A_270 : memref<128xf32, #tpu.memory_space<vmem>>) offsets(%dma_start3A_273 : memref<128xi32, #tpu.memory_space<vmem>>) semaphore(%arg7 : memref<!tpu.dma_semaphore, #tpu.memory_space<semaphore_mem>>)
    %dma_start3A_278 = arith.constant 3 : i32
    %dma_start3A_279 = arith.constant 23 : i32
    %dma_start3A_280 = arith.constant 0 : i32
    %dma_start3A_281 = tpu.memref_slice %arg6[%dma_start3A_279, %dma_start3A_280] : memref<24x128xf32, #tpu.memory_space<vmem>> -> memref<1x128xf32, #tpu.memory_space<vmem>>
    %dma_start3A_282 = tpu.memref_squeeze %dma_start3A_281 : memref<1x128xf32, #tpu.memory_space<vmem>> -> memref<128xf32, #tpu.memory_space<vmem>>
    %dma_start3A_283 = arith.constant 0 : i32
    %dma_start3A_284 = tpu.memref_slice %arg5[%dma_start3A_278, %dma_start3A_283] : memref<4x128xi32, #tpu.memory_space<vmem>> -> memref<1x128xi32, #tpu.memory_space<vmem>>
    %dma_start3A_285 = tpu.memref_squeeze %dma_start3A_284 : memref<1x128xi32, #tpu.memory_space<vmem>> -> memref<128xi32, #tpu.memory_space<vmem>>
    %dma_start3A_286 = arith.constant 500000 : i32
    %dma_start3A_287 = tpu.memref_slice %arg2[%dma_start3A_286] : memref<600000xf32, #tpu.memory_space<hbm>> -> memref<100000xf32, #tpu.memory_space<hbm>>
    %dma_start3A_288 = arith.constant 0 : i32
    %dma_start3A_289 = tpu.memref_slice %dma_start3A_287[%dma_start3A_288] : memref<100000xf32, #tpu.memory_space<hbm>> -> memref<100000xf32, #tpu.memory_space<hbm>>
    tpu.enqueue_indirect_dma source(%dma_start3A_289 : memref<100000xf32, #tpu.memory_space<hbm>>) target(%dma_start3A_282 : memref<128xf32, #tpu.memory_space<vmem>>) offsets(%dma_start3A_285 : memref<128xi32, #tpu.memory_space<vmem>>) semaphore(%arg7 : memref<!tpu.dma_semaphore, #tpu.memory_space<semaphore_mem>>)
    %dma_wait3A = arith.constant 0 : i32
    %dma_wait3A_290 = arith.constant 0 : i32
    %dma_wait3A_291 = arith.constant 0 : i32
    %dma_wait3A_292 = tpu.memref_slice %arg6[%dma_wait3A_290, %dma_wait3A_291] : memref<24x128xf32, #tpu.memory_space<vmem>> -> memref<1x128xf32, #tpu.memory_space<vmem>>
    %dma_wait3A_293 = tpu.memref_squeeze %dma_wait3A_292 : memref<1x128xf32, #tpu.memory_space<vmem>> -> memref<128xf32, #tpu.memory_space<vmem>>
    %dma_wait3A_294 = arith.constant 0 : i32
    %dma_wait3A_295 = tpu.memref_slice %arg5[%dma_wait3A, %dma_wait3A_294] : memref<4x128xi32, #tpu.memory_space<vmem>> -> memref<1x128xi32, #tpu.memory_space<vmem>>
    %dma_wait3A_296 = tpu.memref_squeeze %dma_wait3A_295 : memref<1x128xi32, #tpu.memory_space<vmem>> -> memref<128xi32, #tpu.memory_space<vmem>>
    %dma_wait3A_297 = arith.constant 0 : i32
    %dma_wait3A_298 = tpu.memref_slice %arg2[%dma_wait3A_297] : memref<600000xf32, #tpu.memory_space<hbm>> -> memref<100000xf32, #tpu.memory_space<hbm>>
    %dma_wait3A_299 = arith.constant 0 : i32
    %dma_wait3A_300 = tpu.memref_slice %dma_wait3A_298[%dma_wait3A_299] : memref<100000xf32, #tpu.memory_space<hbm>> -> memref<100000xf32, #tpu.memory_space<hbm>>
    tpu.wait_indirect_dma semaphore(%arg7 : memref<!tpu.dma_semaphore, #tpu.memory_space<semaphore_mem>>) src(%dma_wait3A_300 : memref<100000xf32, #tpu.memory_space<hbm>>) dst(%dma_wait3A_293 : memref<128xf32, #tpu.memory_space<vmem>>)
    %dma_wait3A_301 = arith.constant 1 : i32
    %dma_wait3A_302 = arith.constant 1 : i32
    %dma_wait3A_303 = arith.constant 0 : i32
    %dma_wait3A_304 = tpu.memref_slice %arg6[%dma_wait3A_302, %dma_wait3A_303] : memref<24x128xf32, #tpu.memory_space<vmem>> -> memref<1x128xf32, #tpu.memory_space<vmem>>
    %dma_wait3A_305 = tpu.memref_squeeze %dma_wait3A_304 : memref<1x128xf32, #tpu.memory_space<vmem>> -> memref<128xf32, #tpu.memory_space<vmem>>
    %dma_wait3A_306 = arith.constant 0 : i32
    %dma_wait3A_307 = tpu.memref_slice %arg5[%dma_wait3A_301, %dma_wait3A_306] : memref<4x128xi32, #tpu.memory_space<vmem>> -> memref<1x128xi32, #tpu.memory_space<vmem>>
    %dma_wait3A_308 = tpu.memref_squeeze %dma_wait3A_307 : memref<1x128xi32, #tpu.memory_space<vmem>> -> memref<128xi32, #tpu.memory_space<vmem>>
    %dma_wait3A_309 = arith.constant 0 : i32
    %dma_wait3A_310 = tpu.memref_slice %arg2[%dma_wait3A_309] : memref<600000xf32, #tpu.memory_space<hbm>> -> memref<100000xf32, #tpu.memory_space<hbm>>
    %dma_wait3A_311 = arith.constant 0 : i32
    %dma_wait3A_312 = tpu.memref_slice %dma_wait3A_310[%dma_wait3A_311] : memref<100000xf32, #tpu.memory_space<hbm>> -> memref<100000xf32, #tpu.memory_space<hbm>>
    tpu.wait_indirect_dma semaphore(%arg7 : memref<!tpu.dma_semaphore, #tpu.memory_space<semaphore_mem>>) src(%dma_wait3A_312 : memref<100000xf32, #tpu.memory_space<hbm>>) dst(%dma_wait3A_305 : memref<128xf32, #tpu.memory_space<vmem>>)
    %dma_wait3A_313 = arith.constant 2 : i32
    %dma_wait3A_314 = arith.constant 2 : i32
    %dma_wait3A_315 = arith.constant 0 : i32
    %dma_wait3A_316 = tpu.memref_slice %arg6[%dma_wait3A_314, %dma_wait3A_315] : memref<24x128xf32, #tpu.memory_space<vmem>> -> memref<1x128xf32, #tpu.memory_space<vmem>>
    %dma_wait3A_317 = tpu.memref_squeeze %dma_wait3A_316 : memref<1x128xf32, #tpu.memory_space<vmem>> -> memref<128xf32, #tpu.memory_space<vmem>>
    %dma_wait3A_318 = arith.constant 0 : i32
    %dma_wait3A_319 = tpu.memref_slice %arg5[%dma_wait3A_313, %dma_wait3A_318] : memref<4x128xi32, #tpu.memory_space<vmem>> -> memref<1x128xi32, #tpu.memory_space<vmem>>
    %dma_wait3A_320 = tpu.memref_squeeze %dma_wait3A_319 : memref<1x128xi32, #tpu.memory_space<vmem>> -> memref<128xi32, #tpu.memory_space<vmem>>
    %dma_wait3A_321 = arith.constant 0 : i32
    %dma_wait3A_322 = tpu.memref_slice %arg2[%dma_wait3A_321] : memref<600000xf32, #tpu.memory_space<hbm>> -> memref<100000xf32, #tpu.memory_space<hbm>>
    %dma_wait3A_323 = arith.constant 0 : i32
    %dma_wait3A_324 = tpu.memref_slice %dma_wait3A_322[%dma_wait3A_323] : memref<100000xf32, #tpu.memory_space<hbm>> -> memref<100000xf32, #tpu.memory_space<hbm>>
    tpu.wait_indirect_dma semaphore(%arg7 : memref<!tpu.dma_semaphore, #tpu.memory_space<semaphore_mem>>) src(%dma_wait3A_324 : memref<100000xf32, #tpu.memory_space<hbm>>) dst(%dma_wait3A_317 : memref<128xf32, #tpu.memory_space<vmem>>)
    %dma_wait3A_325 = arith.constant 3 : i32
    %dma_wait3A_326 = arith.constant 3 : i32
    %dma_wait3A_327 = arith.constant 0 : i32
    %dma_wait3A_328 = tpu.memref_slice %arg6[%dma_wait3A_326, %dma_wait3A_327] : memref<24x128xf32, #tpu.memory_space<vmem>> -> memref<1x128xf32, #tpu.memory_space<vmem>>
    %dma_wait3A_329 = tpu.memref_squeeze %dma_wait3A_328 : memref<1x128xf32, #tpu.memory_space<vmem>> -> memref<128xf32, #tpu.memory_space<vmem>>
    %dma_wait3A_330 = arith.constant 0 : i32
    %dma_wait3A_331 = tpu.memref_slice %arg5[%dma_wait3A_325, %dma_wait3A_330] : memref<4x128xi32, #tpu.memory_space<vmem>> -> memref<1x128xi32, #tpu.memory_space<vmem>>
    %dma_wait3A_332 = tpu.memref_squeeze %dma_wait3A_331 : memref<1x128xi32, #tpu.memory_space<vmem>> -> memref<128xi32, #tpu.memory_space<vmem>>
    %dma_wait3A_333 = arith.constant 0 : i32
    %dma_wait3A_334 = tpu.memref_slice %arg2[%dma_wait3A_333] : memref<600000xf32, #tpu.memory_space<hbm>> -> memref<100000xf32, #tpu.memory_space<hbm>>
    %dma_wait3A_335 = arith.constant 0 : i32
    %dma_wait3A_336 = tpu.memref_slice %dma_wait3A_334[%dma_wait3A_335] : memref<100000xf32, #tpu.memory_space<hbm>> -> memref<100000xf32, #tpu.memory_space<hbm>>
    tpu.wait_indirect_dma semaphore(%arg7 : memref<!tpu.dma_semaphore, #tpu.memory_space<semaphore_mem>>) src(%dma_wait3A_336 : memref<100000xf32, #tpu.memory_space<hbm>>) dst(%dma_wait3A_329 : memref<128xf32, #tpu.memory_space<vmem>>)
    %mul3A_337 = arith.constant 4 : i32
    %mul3A_338 = arith.muli %add3A, %mul3A_337 : i32
    %add3A_339 = arith.constant 0 : i32
    %add3A_340 = arith.addi %add3A_339, %mul3A_338 : i32
    %dma_start3A_341 = arith.constant 0 : i32
    %dma_start3A_342 = arith.constant 0 : i32
    %dma_start3A_343 = tpu.memref_slice %arg6[%dma_start3A_341, %dma_start3A_342] : memref<24x128xf32, #tpu.memory_space<vmem>> -> memref<4x128xf32, #tpu.memory_space<vmem>>
    %dma_start3A_344 = arith.constant 0 : i32
    %dma_start3A_345 = tpu.memref_slice %arg4[%add3A_340, %dma_start3A_344] : memref<768x128xf32, #tpu.memory_space<hbm>> -> memref<4x128xf32, #tpu.memory_space<hbm>>
    %dma_start3A_346 = arith.constant 0 : i32
    %dma_start3A_347 = tpu.memref_slice %arg4[%add3A_340, %dma_start3A_346] : memref<768x128xf32, #tpu.memory_space<hbm>> -> memref<4x128xf32, #tpu.memory_space<hbm>>
    %dma_start3A_348 = arith.constant 0 : i32
    %dma_start3A_349 = arith.constant 0 : i32
    %dma_start3A_350 = tpu.memref_slice %arg6[%dma_start3A_348, %dma_start3A_349] : memref<24x128xf32, #tpu.memory_space<vmem>> -> memref<4x128xf32, #tpu.memory_space<vmem>>
    tpu.enqueue_dma source(%dma_start3A_350 : memref<4x128xf32, #tpu.memory_space<vmem>>) target(%dma_start3A_347 : memref<4x128xf32, #tpu.memory_space<hbm>>) target_semaphore(%arg8 : memref<!tpu.dma_semaphore, #tpu.memory_space<semaphore_mem>>)
    %dma_wait3A_351 = arith.constant 0 : i32
    %dma_wait3A_352 = arith.constant 4 : i32
    %dma_wait3A_353 = arith.constant 0 : i32
    %dma_wait3A_354 = tpu.memref_slice %arg6[%dma_wait3A_352, %dma_wait3A_353] : memref<24x128xf32, #tpu.memory_space<vmem>> -> memref<1x128xf32, #tpu.memory_space<vmem>>
    %dma_wait3A_355 = tpu.memref_squeeze %dma_wait3A_354 : memref<1x128xf32, #tpu.memory_space<vmem>> -> memref<128xf32, #tpu.memory_space<vmem>>
    %dma_wait3A_356 = arith.constant 0 : i32
    %dma_wait3A_357 = tpu.memref_slice %arg5[%dma_wait3A_351, %dma_wait3A_356] : memref<4x128xi32, #tpu.memory_space<vmem>> -> memref<1x128xi32, #tpu.memory_space<vmem>>
    %dma_wait3A_358 = tpu.memref_squeeze %dma_wait3A_357 : memref<1x128xi32, #tpu.memory_space<vmem>> -> memref<128xi32, #tpu.memory_space<vmem>>
    %dma_wait3A_359 = arith.constant 100000 : i32
    %dma_wait3A_360 = tpu.memref_slice %arg2[%dma_wait3A_359] : memref<600000xf32, #tpu.memory_space<hbm>> -> memref<100000xf32, #tpu.memory_space<hbm>>
    %dma_wait3A_361 = arith.constant 0 : i32
    %dma_wait3A_362 = tpu.memref_slice %dma_wait3A_360[%dma_wait3A_361] : memref<100000xf32, #tpu.memory_space<hbm>> -> memref<100000xf32, #tpu.memory_space<hbm>>
    tpu.wait_indirect_dma semaphore(%arg7 : memref<!tpu.dma_semaphore, #tpu.memory_space<semaphore_mem>>) src(%dma_wait3A_362 : memref<100000xf32, #tpu.memory_space<hbm>>) dst(%dma_wait3A_355 : memref<128xf32, #tpu.memory_space<vmem>>)
    %dma_wait3A_363 = arith.constant 1 : i32
    %dma_wait3A_364 = arith.constant 5 : i32
    %dma_wait3A_365 = arith.constant 0 : i32
    %dma_wait3A_366 = tpu.memref_slice %arg6[%dma_wait3A_364, %dma_wait3A_365] : memref<24x128xf32, #tpu.memory_space<vmem>> -> memref<1x128xf32, #tpu.memory_space<vmem>>
    %dma_wait3A_367 = tpu.memref_squeeze %dma_wait3A_366 : memref<1x128xf32, #tpu.memory_space<vmem>> -> memref<128xf32, #tpu.memory_space<vmem>>
    %dma_wait3A_368 = arith.constant 0 : i32
    %dma_wait3A_369 = tpu.memref_slice %arg5[%dma_wait3A_363, %dma_wait3A_368] : memref<4x128xi32, #tpu.memory_space<vmem>> -> memref<1x128xi32, #tpu.memory_space<vmem>>
    %dma_wait3A_370 = tpu.memref_squeeze %dma_wait3A_369 : memref<1x128xi32, #tpu.memory_space<vmem>> -> memref<128xi32, #tpu.memory_space<vmem>>
    %dma_wait3A_371 = arith.constant 100000 : i32
    %dma_wait3A_372 = tpu.memref_slice %arg2[%dma_wait3A_371] : memref<600000xf32, #tpu.memory_space<hbm>> -> memref<100000xf32, #tpu.memory_space<hbm>>
    %dma_wait3A_373 = arith.constant 0 : i32
    %dma_wait3A_374 = tpu.memref_slice %dma_wait3A_372[%dma_wait3A_373] : memref<100000xf32, #tpu.memory_space<hbm>> -> memref<100000xf32, #tpu.memory_space<hbm>>
    tpu.wait_indirect_dma semaphore(%arg7 : memref<!tpu.dma_semaphore, #tpu.memory_space<semaphore_mem>>) src(%dma_wait3A_374 : memref<100000xf32, #tpu.memory_space<hbm>>) dst(%dma_wait3A_367 : memref<128xf32, #tpu.memory_space<vmem>>)
    %dma_wait3A_375 = arith.constant 2 : i32
    %dma_wait3A_376 = arith.constant 6 : i32
    %dma_wait3A_377 = arith.constant 0 : i32
    %dma_wait3A_378 = tpu.memref_slice %arg6[%dma_wait3A_376, %dma_wait3A_377] : memref<24x128xf32, #tpu.memory_space<vmem>> -> memref<1x128xf32, #tpu.memory_space<vmem>>
    %dma_wait3A_379 = tpu.memref_squeeze %dma_wait3A_378 : memref<1x128xf32, #tpu.memory_space<vmem>> -> memref<128xf32, #tpu.memory_space<vmem>>
    %dma_wait3A_380 = arith.constant 0 : i32
    %dma_wait3A_381 = tpu.memref_slice %arg5[%dma_wait3A_375, %dma_wait3A_380] : memref<4x128xi32, #tpu.memory_space<vmem>> -> memref<1x128xi32, #tpu.memory_space<vmem>>
    %dma_wait3A_382 = tpu.memref_squeeze %dma_wait3A_381 : memref<1x128xi32, #tpu.memory_space<vmem>> -> memref<128xi32, #tpu.memory_space<vmem>>
    %dma_wait3A_383 = arith.constant 100000 : i32
    %dma_wait3A_384 = tpu.memref_slice %arg2[%dma_wait3A_383] : memref<600000xf32, #tpu.memory_space<hbm>> -> memref<100000xf32, #tpu.memory_space<hbm>>
    %dma_wait3A_385 = arith.constant 0 : i32
    %dma_wait3A_386 = tpu.memref_slice %dma_wait3A_384[%dma_wait3A_385] : memref<100000xf32, #tpu.memory_space<hbm>> -> memref<100000xf32, #tpu.memory_space<hbm>>
    tpu.wait_indirect_dma semaphore(%arg7 : memref<!tpu.dma_semaphore, #tpu.memory_space<semaphore_mem>>) src(%dma_wait3A_386 : memref<100000xf32, #tpu.memory_space<hbm>>) dst(%dma_wait3A_379 : memref<128xf32, #tpu.memory_space<vmem>>)
    %dma_wait3A_387 = arith.constant 3 : i32
    %dma_wait3A_388 = arith.constant 7 : i32
    %dma_wait3A_389 = arith.constant 0 : i32
    %dma_wait3A_390 = tpu.memref_slice %arg6[%dma_wait3A_388, %dma_wait3A_389] : memref<24x128xf32, #tpu.memory_space<vmem>> -> memref<1x128xf32, #tpu.memory_space<vmem>>
    %dma_wait3A_391 = tpu.memref_squeeze %dma_wait3A_390 : memref<1x128xf32, #tpu.memory_space<vmem>> -> memref<128xf32, #tpu.memory_space<vmem>>
    %dma_wait3A_392 = arith.constant 0 : i32
    %dma_wait3A_393 = tpu.memref_slice %arg5[%dma_wait3A_387, %dma_wait3A_392] : memref<4x128xi32, #tpu.memory_space<vmem>> -> memref<1x128xi32, #tpu.memory_space<vmem>>
    %dma_wait3A_394 = tpu.memref_squeeze %dma_wait3A_393 : memref<1x128xi32, #tpu.memory_space<vmem>> -> memref<128xi32, #tpu.memory_space<vmem>>
    %dma_wait3A_395 = arith.constant 100000 : i32
    %dma_wait3A_396 = tpu.memref_slice %arg2[%dma_wait3A_395] : memref<600000xf32, #tpu.memory_space<hbm>> -> memref<100000xf32, #tpu.memory_space<hbm>>
    %dma_wait3A_397 = arith.constant 0 : i32
    %dma_wait3A_398 = tpu.memref_slice %dma_wait3A_396[%dma_wait3A_397] : memref<100000xf32, #tpu.memory_space<hbm>> -> memref<100000xf32, #tpu.memory_space<hbm>>
    tpu.wait_indirect_dma semaphore(%arg7 : memref<!tpu.dma_semaphore, #tpu.memory_space<semaphore_mem>>) src(%dma_wait3A_398 : memref<100000xf32, #tpu.memory_space<hbm>>) dst(%dma_wait3A_391 : memref<128xf32, #tpu.memory_space<vmem>>)
    %mul3A_399 = arith.constant 4 : i32
    %mul3A_400 = arith.muli %add3A, %mul3A_399 : i32
    %add3A_401 = arith.constant 128 : i32
    %add3A_402 = arith.addi %add3A_401, %mul3A_400 : i32
    %dma_start3A_403 = arith.constant 4 : i32
    %dma_start3A_404 = arith.constant 0 : i32
    %dma_start3A_405 = tpu.memref_slice %arg6[%dma_start3A_403, %dma_start3A_404] : memref<24x128xf32, #tpu.memory_space<vmem>> -> memref<4x128xf32, #tpu.memory_space<vmem>>
    %dma_start3A_406 = arith.constant 0 : i32
    %dma_start3A_407 = tpu.memref_slice %arg4[%add3A_402, %dma_start3A_406] : memref<768x128xf32, #tpu.memory_space<hbm>> -> memref<4x128xf32, #tpu.memory_space<hbm>>
    %dma_start3A_408 = arith.constant 0 : i32
    %dma_start3A_409 = tpu.memref_slice %arg4[%add3A_402, %dma_start3A_408] : memref<768x128xf32, #tpu.memory_space<hbm>> -> memref<4x128xf32, #tpu.memory_space<hbm>>
    %dma_start3A_410 = arith.constant 4 : i32
    %dma_start3A_411 = arith.constant 0 : i32
    %dma_start3A_412 = tpu.memref_slice %arg6[%dma_start3A_410, %dma_start3A_411] : memref<24x128xf32, #tpu.memory_space<vmem>> -> memref<4x128xf32, #tpu.memory_space<vmem>>
    tpu.enqueue_dma source(%dma_start3A_412 : memref<4x128xf32, #tpu.memory_space<vmem>>) target(%dma_start3A_409 : memref<4x128xf32, #tpu.memory_space<hbm>>) target_semaphore(%arg8 : memref<!tpu.dma_semaphore, #tpu.memory_space<semaphore_mem>>)
    %dma_wait3A_413 = arith.constant 0 : i32
    %dma_wait3A_414 = arith.constant 8 : i32
    %dma_wait3A_415 = arith.constant 0 : i32
    %dma_wait3A_416 = tpu.memref_slice %arg6[%dma_wait3A_414, %dma_wait3A_415] : memref<24x128xf32, #tpu.memory_space<vmem>> -> memref<1x128xf32, #tpu.memory_space<vmem>>
    %dma_wait3A_417 = tpu.memref_squeeze %dma_wait3A_416 : memref<1x128xf32, #tpu.memory_space<vmem>> -> memref<128xf32, #tpu.memory_space<vmem>>
    %dma_wait3A_418 = arith.constant 0 : i32
    %dma_wait3A_419 = tpu.memref_slice %arg5[%dma_wait3A_413, %dma_wait3A_418] : memref<4x128xi32, #tpu.memory_space<vmem>> -> memref<1x128xi32, #tpu.memory_space<vmem>>
    %dma_wait3A_420 = tpu.memref_squeeze %dma_wait3A_419 : memref<1x128xi32, #tpu.memory_space<vmem>> -> memref<128xi32, #tpu.memory_space<vmem>>
    %dma_wait3A_421 = arith.constant 200000 : i32
    %dma_wait3A_422 = tpu.memref_slice %arg2[%dma_wait3A_421] : memref<600000xf32, #tpu.memory_space<hbm>> -> memref<100000xf32, #tpu.memory_space<hbm>>
    %dma_wait3A_423 = arith.constant 0 : i32
    %dma_wait3A_424 = tpu.memref_slice %dma_wait3A_422[%dma_wait3A_423] : memref<100000xf32, #tpu.memory_space<hbm>> -> memref<100000xf32, #tpu.memory_space<hbm>>
    tpu.wait_indirect_dma semaphore(%arg7 : memref<!tpu.dma_semaphore, #tpu.memory_space<semaphore_mem>>) src(%dma_wait3A_424 : memref<100000xf32, #tpu.memory_space<hbm>>) dst(%dma_wait3A_417 : memref<128xf32, #tpu.memory_space<vmem>>)
    %dma_wait3A_425 = arith.constant 1 : i32
    %dma_wait3A_426 = arith.constant 9 : i32
    %dma_wait3A_427 = arith.constant 0 : i32
    %dma_wait3A_428 = tpu.memref_slice %arg6[%dma_wait3A_426, %dma_wait3A_427] : memref<24x128xf32, #tpu.memory_space<vmem>> -> memref<1x128xf32, #tpu.memory_space<vmem>>
    %dma_wait3A_429 = tpu.memref_squeeze %dma_wait3A_428 : memref<1x128xf32, #tpu.memory_space<vmem>> -> memref<128xf32, #tpu.memory_space<vmem>>
    %dma_wait3A_430 = arith.constant 0 : i32
    %dma_wait3A_431 = tpu.memref_slice %arg5[%dma_wait3A_425, %dma_wait3A_430] : memref<4x128xi32, #tpu.memory_space<vmem>> -> memref<1x128xi32, #tpu.memory_space<vmem>>
    %dma_wait3A_432 = tpu.memref_squeeze %dma_wait3A_431 : memref<1x128xi32, #tpu.memory_space<vmem>> -> memref<128xi32, #tpu.memory_space<vmem>>
    %dma_wait3A_433 = arith.constant 200000 : i32
    %dma_wait3A_434 = tpu.memref_slice %arg2[%dma_wait3A_433] : memref<600000xf32, #tpu.memory_space<hbm>> -> memref<100000xf32, #tpu.memory_space<hbm>>
    %dma_wait3A_435 = arith.constant 0 : i32
    %dma_wait3A_436 = tpu.memref_slice %dma_wait3A_434[%dma_wait3A_435] : memref<100000xf32, #tpu.memory_space<hbm>> -> memref<100000xf32, #tpu.memory_space<hbm>>
    tpu.wait_indirect_dma semaphore(%arg7 : memref<!tpu.dma_semaphore, #tpu.memory_space<semaphore_mem>>) src(%dma_wait3A_436 : memref<100000xf32, #tpu.memory_space<hbm>>) dst(%dma_wait3A_429 : memref<128xf32, #tpu.memory_space<vmem>>)
    %dma_wait3A_437 = arith.constant 2 : i32
    %dma_wait3A_438 = arith.constant 10 : i32
    %dma_wait3A_439 = arith.constant 0 : i32
    %dma_wait3A_440 = tpu.memref_slice %arg6[%dma_wait3A_438, %dma_wait3A_439] : memref<24x128xf32, #tpu.memory_space<vmem>> -> memref<1x128xf32, #tpu.memory_space<vmem>>
    %dma_wait3A_441 = tpu.memref_squeeze %dma_wait3A_440 : memref<1x128xf32, #tpu.memory_space<vmem>> -> memref<128xf32, #tpu.memory_space<vmem>>
    %dma_wait3A_442 = arith.constant 0 : i32
    %dma_wait3A_443 = tpu.memref_slice %arg5[%dma_wait3A_437, %dma_wait3A_442] : memref<4x128xi32, #tpu.memory_space<vmem>> -> memref<1x128xi32, #tpu.memory_space<vmem>>
    %dma_wait3A_444 = tpu.memref_squeeze %dma_wait3A_443 : memref<1x128xi32, #tpu.memory_space<vmem>> -> memref<128xi32, #tpu.memory_space<vmem>>
    %dma_wait3A_445 = arith.constant 200000 : i32
    %dma_wait3A_446 = tpu.memref_slice %arg2[%dma_wait3A_445] : memref<600000xf32, #tpu.memory_space<hbm>> -> memref<100000xf32, #tpu.memory_space<hbm>>
    %dma_wait3A_447 = arith.constant 0 : i32
    %dma_wait3A_448 = tpu.memref_slice %dma_wait3A_446[%dma_wait3A_447] : memref<100000xf32, #tpu.memory_space<hbm>> -> memref<100000xf32, #tpu.memory_space<hbm>>
    tpu.wait_indirect_dma semaphore(%arg7 : memref<!tpu.dma_semaphore, #tpu.memory_space<semaphore_mem>>) src(%dma_wait3A_448 : memref<100000xf32, #tpu.memory_space<hbm>>) dst(%dma_wait3A_441 : memref<128xf32, #tpu.memory_space<vmem>>)
    %dma_wait3A_449 = arith.constant 3 : i32
    %dma_wait3A_450 = arith.constant 11 : i32
    %dma_wait3A_451 = arith.constant 0 : i32
    %dma_wait3A_452 = tpu.memref_slice %arg6[%dma_wait3A_450, %dma_wait3A_451] : memref<24x128xf32, #tpu.memory_space<vmem>> -> memref<1x128xf32, #tpu.memory_space<vmem>>
    %dma_wait3A_453 = tpu.memref_squeeze %dma_wait3A_452 : memref<1x128xf32, #tpu.memory_space<vmem>> -> memref<128xf32, #tpu.memory_space<vmem>>
    %dma_wait3A_454 = arith.constant 0 : i32
    %dma_wait3A_455 = tpu.memref_slice %arg5[%dma_wait3A_449, %dma_wait3A_454] : memref<4x128xi32, #tpu.memory_space<vmem>> -> memref<1x128xi32, #tpu.memory_space<vmem>>
    %dma_wait3A_456 = tpu.memref_squeeze %dma_wait3A_455 : memref<1x128xi32, #tpu.memory_space<vmem>> -> memref<128xi32, #tpu.memory_space<vmem>>
    %dma_wait3A_457 = arith.constant 200000 : i32
    %dma_wait3A_458 = tpu.memref_slice %arg2[%dma_wait3A_457] : memref<600000xf32, #tpu.memory_space<hbm>> -> memref<100000xf32, #tpu.memory_space<hbm>>
    %dma_wait3A_459 = arith.constant 0 : i32
    %dma_wait3A_460 = tpu.memref_slice %dma_wait3A_458[%dma_wait3A_459] : memref<100000xf32, #tpu.memory_space<hbm>> -> memref<100000xf32, #tpu.memory_space<hbm>>
    tpu.wait_indirect_dma semaphore(%arg7 : memref<!tpu.dma_semaphore, #tpu.memory_space<semaphore_mem>>) src(%dma_wait3A_460 : memref<100000xf32, #tpu.memory_space<hbm>>) dst(%dma_wait3A_453 : memref<128xf32, #tpu.memory_space<vmem>>)
    %mul3A_461 = arith.constant 4 : i32
    %mul3A_462 = arith.muli %add3A, %mul3A_461 : i32
    %add3A_463 = arith.constant 256 : i32
    %add3A_464 = arith.addi %add3A_463, %mul3A_462 : i32
    %dma_start3A_465 = arith.constant 8 : i32
    %dma_start3A_466 = arith.constant 0 : i32
    %dma_start3A_467 = tpu.memref_slice %arg6[%dma_start3A_465, %dma_start3A_466] : memref<24x128xf32, #tpu.memory_space<vmem>> -> memref<4x128xf32, #tpu.memory_space<vmem>>
    %dma_start3A_468 = arith.constant 0 : i32
    %dma_start3A_469 = tpu.memref_slice %arg4[%add3A_464, %dma_start3A_468] : memref<768x128xf32, #tpu.memory_space<hbm>> -> memref<4x128xf32, #tpu.memory_space<hbm>>
    %dma_start3A_470 = arith.constant 0 : i32
    %dma_start3A_471 = tpu.memref_slice %arg4[%add3A_464, %dma_start3A_470] : memref<768x128xf32, #tpu.memory_space<hbm>> -> memref<4x128xf32, #tpu.memory_space<hbm>>
    %dma_start3A_472 = arith.constant 8 : i32
    %dma_start3A_473 = arith.constant 0 : i32
    %dma_start3A_474 = tpu.memref_slice %arg6[%dma_start3A_472, %dma_start3A_473] : memref<24x128xf32, #tpu.memory_space<vmem>> -> memref<4x128xf32, #tpu.memory_space<vmem>>
    tpu.enqueue_dma source(%dma_start3A_474 : memref<4x128xf32, #tpu.memory_space<vmem>>) target(%dma_start3A_471 : memref<4x128xf32, #tpu.memory_space<hbm>>) target_semaphore(%arg8 : memref<!tpu.dma_semaphore, #tpu.memory_space<semaphore_mem>>)
    %dma_wait3A_475 = arith.constant 0 : i32
    %dma_wait3A_476 = arith.constant 12 : i32
    %dma_wait3A_477 = arith.constant 0 : i32
    %dma_wait3A_478 = tpu.memref_slice %arg6[%dma_wait3A_476, %dma_wait3A_477] : memref<24x128xf32, #tpu.memory_space<vmem>> -> memref<1x128xf32, #tpu.memory_space<vmem>>
    %dma_wait3A_479 = tpu.memref_squeeze %dma_wait3A_478 : memref<1x128xf32, #tpu.memory_space<vmem>> -> memref<128xf32, #tpu.memory_space<vmem>>
    %dma_wait3A_480 = arith.constant 0 : i32
    %dma_wait3A_481 = tpu.memref_slice %arg5[%dma_wait3A_475, %dma_wait3A_480] : memref<4x128xi32, #tpu.memory_space<vmem>> -> memref<1x128xi32, #tpu.memory_space<vmem>>
    %dma_wait3A_482 = tpu.memref_squeeze %dma_wait3A_481 : memref<1x128xi32, #tpu.memory_space<vmem>> -> memref<128xi32, #tpu.memory_space<vmem>>
    %dma_wait3A_483 = arith.constant 300000 : i32
    %dma_wait3A_484 = tpu.memref_slice %arg2[%dma_wait3A_483] : memref<600000xf32, #tpu.memory_space<hbm>> -> memref<100000xf32, #tpu.memory_space<hbm>>
    %dma_wait3A_485 = arith.constant 0 : i32
    %dma_wait3A_486 = tpu.memref_slice %dma_wait3A_484[%dma_wait3A_485] : memref<100000xf32, #tpu.memory_space<hbm>> -> memref<100000xf32, #tpu.memory_space<hbm>>
    tpu.wait_indirect_dma semaphore(%arg7 : memref<!tpu.dma_semaphore, #tpu.memory_space<semaphore_mem>>) src(%dma_wait3A_486 : memref<100000xf32, #tpu.memory_space<hbm>>) dst(%dma_wait3A_479 : memref<128xf32, #tpu.memory_space<vmem>>)
    %dma_wait3A_487 = arith.constant 1 : i32
    %dma_wait3A_488 = arith.constant 13 : i32
    %dma_wait3A_489 = arith.constant 0 : i32
    %dma_wait3A_490 = tpu.memref_slice %arg6[%dma_wait3A_488, %dma_wait3A_489] : memref<24x128xf32, #tpu.memory_space<vmem>> -> memref<1x128xf32, #tpu.memory_space<vmem>>
    %dma_wait3A_491 = tpu.memref_squeeze %dma_wait3A_490 : memref<1x128xf32, #tpu.memory_space<vmem>> -> memref<128xf32, #tpu.memory_space<vmem>>
    %dma_wait3A_492 = arith.constant 0 : i32
    %dma_wait3A_493 = tpu.memref_slice %arg5[%dma_wait3A_487, %dma_wait3A_492] : memref<4x128xi32, #tpu.memory_space<vmem>> -> memref<1x128xi32, #tpu.memory_space<vmem>>
    %dma_wait3A_494 = tpu.memref_squeeze %dma_wait3A_493 : memref<1x128xi32, #tpu.memory_space<vmem>> -> memref<128xi32, #tpu.memory_space<vmem>>
    %dma_wait3A_495 = arith.constant 300000 : i32
    %dma_wait3A_496 = tpu.memref_slice %arg2[%dma_wait3A_495] : memref<600000xf32, #tpu.memory_space<hbm>> -> memref<100000xf32, #tpu.memory_space<hbm>>
    %dma_wait3A_497 = arith.constant 0 : i32
    %dma_wait3A_498 = tpu.memref_slice %dma_wait3A_496[%dma_wait3A_497] : memref<100000xf32, #tpu.memory_space<hbm>> -> memref<100000xf32, #tpu.memory_space<hbm>>
    tpu.wait_indirect_dma semaphore(%arg7 : memref<!tpu.dma_semaphore, #tpu.memory_space<semaphore_mem>>) src(%dma_wait3A_498 : memref<100000xf32, #tpu.memory_space<hbm>>) dst(%dma_wait3A_491 : memref<128xf32, #tpu.memory_space<vmem>>)
    %dma_wait3A_499 = arith.constant 2 : i32
    %dma_wait3A_500 = arith.constant 14 : i32
    %dma_wait3A_501 = arith.constant 0 : i32
    %dma_wait3A_502 = tpu.memref_slice %arg6[%dma_wait3A_500, %dma_wait3A_501] : memref<24x128xf32, #tpu.memory_space<vmem>> -> memref<1x128xf32, #tpu.memory_space<vmem>>
    %dma_wait3A_503 = tpu.memref_squeeze %dma_wait3A_502 : memref<1x128xf32, #tpu.memory_space<vmem>> -> memref<128xf32, #tpu.memory_space<vmem>>
    %dma_wait3A_504 = arith.constant 0 : i32
    %dma_wait3A_505 = tpu.memref_slice %arg5[%dma_wait3A_499, %dma_wait3A_504] : memref<4x128xi32, #tpu.memory_space<vmem>> -> memref<1x128xi32, #tpu.memory_space<vmem>>
    %dma_wait3A_506 = tpu.memref_squeeze %dma_wait3A_505 : memref<1x128xi32, #tpu.memory_space<vmem>> -> memref<128xi32, #tpu.memory_space<vmem>>
    %dma_wait3A_507 = arith.constant 300000 : i32
    %dma_wait3A_508 = tpu.memref_slice %arg2[%dma_wait3A_507] : memref<600000xf32, #tpu.memory_space<hbm>> -> memref<100000xf32, #tpu.memory_space<hbm>>
    %dma_wait3A_509 = arith.constant 0 : i32
    %dma_wait3A_510 = tpu.memref_slice %dma_wait3A_508[%dma_wait3A_509] : memref<100000xf32, #tpu.memory_space<hbm>> -> memref<100000xf32, #tpu.memory_space<hbm>>
    tpu.wait_indirect_dma semaphore(%arg7 : memref<!tpu.dma_semaphore, #tpu.memory_space<semaphore_mem>>) src(%dma_wait3A_510 : memref<100000xf32, #tpu.memory_space<hbm>>) dst(%dma_wait3A_503 : memref<128xf32, #tpu.memory_space<vmem>>)
    %dma_wait3A_511 = arith.constant 3 : i32
    %dma_wait3A_512 = arith.constant 15 : i32
    %dma_wait3A_513 = arith.constant 0 : i32
    %dma_wait3A_514 = tpu.memref_slice %arg6[%dma_wait3A_512, %dma_wait3A_513] : memref<24x128xf32, #tpu.memory_space<vmem>> -> memref<1x128xf32, #tpu.memory_space<vmem>>
    %dma_wait3A_515 = tpu.memref_squeeze %dma_wait3A_514 : memref<1x128xf32, #tpu.memory_space<vmem>> -> memref<128xf32, #tpu.memory_space<vmem>>
    %dma_wait3A_516 = arith.constant 0 : i32
    %dma_wait3A_517 = tpu.memref_slice %arg5[%dma_wait3A_511, %dma_wait3A_516] : memref<4x128xi32, #tpu.memory_space<vmem>> -> memref<1x128xi32, #tpu.memory_space<vmem>>
    %dma_wait3A_518 = tpu.memref_squeeze %dma_wait3A_517 : memref<1x128xi32, #tpu.memory_space<vmem>> -> memref<128xi32, #tpu.memory_space<vmem>>
    %dma_wait3A_519 = arith.constant 300000 : i32
    %dma_wait3A_520 = tpu.memref_slice %arg2[%dma_wait3A_519] : memref<600000xf32, #tpu.memory_space<hbm>> -> memref<100000xf32, #tpu.memory_space<hbm>>
    %dma_wait3A_521 = arith.constant 0 : i32
    %dma_wait3A_522 = tpu.memref_slice %dma_wait3A_520[%dma_wait3A_521] : memref<100000xf32, #tpu.memory_space<hbm>> -> memref<100000xf32, #tpu.memory_space<hbm>>
    tpu.wait_indirect_dma semaphore(%arg7 : memref<!tpu.dma_semaphore, #tpu.memory_space<semaphore_mem>>) src(%dma_wait3A_522 : memref<100000xf32, #tpu.memory_space<hbm>>) dst(%dma_wait3A_515 : memref<128xf32, #tpu.memory_space<vmem>>)
    %mul3A_523 = arith.constant 4 : i32
    %mul3A_524 = arith.muli %add3A, %mul3A_523 : i32
    %add3A_525 = arith.constant 384 : i32
    %add3A_526 = arith.addi %add3A_525, %mul3A_524 : i32
    %dma_start3A_527 = arith.constant 12 : i32
    %dma_start3A_528 = arith.constant 0 : i32
    %dma_start3A_529 = tpu.memref_slice %arg6[%dma_start3A_527, %dma_start3A_528] : memref<24x128xf32, #tpu.memory_space<vmem>> -> memref<4x128xf32, #tpu.memory_space<vmem>>
    %dma_start3A_530 = arith.constant 0 : i32
    %dma_start3A_531 = tpu.memref_slice %arg4[%add3A_526, %dma_start3A_530] : memref<768x128xf32, #tpu.memory_space<hbm>> -> memref<4x128xf32, #tpu.memory_space<hbm>>
    %dma_start3A_532 = arith.constant 0 : i32
    %dma_start3A_533 = tpu.memref_slice %arg4[%add3A_526, %dma_start3A_532] : memref<768x128xf32, #tpu.memory_space<hbm>> -> memref<4x128xf32, #tpu.memory_space<hbm>>
    %dma_start3A_534 = arith.constant 12 : i32
    %dma_start3A_535 = arith.constant 0 : i32
    %dma_start3A_536 = tpu.memref_slice %arg6[%dma_start3A_534, %dma_start3A_535] : memref<24x128xf32, #tpu.memory_space<vmem>> -> memref<4x128xf32, #tpu.memory_space<vmem>>
    tpu.enqueue_dma source(%dma_start3A_536 : memref<4x128xf32, #tpu.memory_space<vmem>>) target(%dma_start3A_533 : memref<4x128xf32, #tpu.memory_space<hbm>>) target_semaphore(%arg8 : memref<!tpu.dma_semaphore, #tpu.memory_space<semaphore_mem>>)
    %dma_wait3A_537 = arith.constant 0 : i32
    %dma_wait3A_538 = arith.constant 16 : i32
    %dma_wait3A_539 = arith.constant 0 : i32
    %dma_wait3A_540 = tpu.memref_slice %arg6[%dma_wait3A_538, %dma_wait3A_539] : memref<24x128xf32, #tpu.memory_space<vmem>> -> memref<1x128xf32, #tpu.memory_space<vmem>>
    %dma_wait3A_541 = tpu.memref_squeeze %dma_wait3A_540 : memref<1x128xf32, #tpu.memory_space<vmem>> -> memref<128xf32, #tpu.memory_space<vmem>>
    %dma_wait3A_542 = arith.constant 0 : i32
    %dma_wait3A_543 = tpu.memref_slice %arg5[%dma_wait3A_537, %dma_wait3A_542] : memref<4x128xi32, #tpu.memory_space<vmem>> -> memref<1x128xi32, #tpu.memory_space<vmem>>
    %dma_wait3A_544 = tpu.memref_squeeze %dma_wait3A_543 : memref<1x128xi32, #tpu.memory_space<vmem>> -> memref<128xi32, #tpu.memory_space<vmem>>
    %dma_wait3A_545 = arith.constant 400000 : i32
    %dma_wait3A_546 = tpu.memref_slice %arg2[%dma_wait3A_545] : memref<600000xf32, #tpu.memory_space<hbm>> -> memref<100000xf32, #tpu.memory_space<hbm>>
    %dma_wait3A_547 = arith.constant 0 : i32
    %dma_wait3A_548 = tpu.memref_slice %dma_wait3A_546[%dma_wait3A_547] : memref<100000xf32, #tpu.memory_space<hbm>> -> memref<100000xf32, #tpu.memory_space<hbm>>
    tpu.wait_indirect_dma semaphore(%arg7 : memref<!tpu.dma_semaphore, #tpu.memory_space<semaphore_mem>>) src(%dma_wait3A_548 : memref<100000xf32, #tpu.memory_space<hbm>>) dst(%dma_wait3A_541 : memref<128xf32, #tpu.memory_space<vmem>>)
    %dma_wait3A_549 = arith.constant 1 : i32
    %dma_wait3A_550 = arith.constant 17 : i32
    %dma_wait3A_551 = arith.constant 0 : i32
    %dma_wait3A_552 = tpu.memref_slice %arg6[%dma_wait3A_550, %dma_wait3A_551] : memref<24x128xf32, #tpu.memory_space<vmem>> -> memref<1x128xf32, #tpu.memory_space<vmem>>
    %dma_wait3A_553 = tpu.memref_squeeze %dma_wait3A_552 : memref<1x128xf32, #tpu.memory_space<vmem>> -> memref<128xf32, #tpu.memory_space<vmem>>
    %dma_wait3A_554 = arith.constant 0 : i32
    %dma_wait3A_555 = tpu.memref_slice %arg5[%dma_wait3A_549, %dma_wait3A_554] : memref<4x128xi32, #tpu.memory_space<vmem>> -> memref<1x128xi32, #tpu.memory_space<vmem>>
    %dma_wait3A_556 = tpu.memref_squeeze %dma_wait3A_555 : memref<1x128xi32, #tpu.memory_space<vmem>> -> memref<128xi32, #tpu.memory_space<vmem>>
    %dma_wait3A_557 = arith.constant 400000 : i32
    %dma_wait3A_558 = tpu.memref_slice %arg2[%dma_wait3A_557] : memref<600000xf32, #tpu.memory_space<hbm>> -> memref<100000xf32, #tpu.memory_space<hbm>>
    %dma_wait3A_559 = arith.constant 0 : i32
    %dma_wait3A_560 = tpu.memref_slice %dma_wait3A_558[%dma_wait3A_559] : memref<100000xf32, #tpu.memory_space<hbm>> -> memref<100000xf32, #tpu.memory_space<hbm>>
    tpu.wait_indirect_dma semaphore(%arg7 : memref<!tpu.dma_semaphore, #tpu.memory_space<semaphore_mem>>) src(%dma_wait3A_560 : memref<100000xf32, #tpu.memory_space<hbm>>) dst(%dma_wait3A_553 : memref<128xf32, #tpu.memory_space<vmem>>)
    %dma_wait3A_561 = arith.constant 2 : i32
    %dma_wait3A_562 = arith.constant 18 : i32
    %dma_wait3A_563 = arith.constant 0 : i32
    %dma_wait3A_564 = tpu.memref_slice %arg6[%dma_wait3A_562, %dma_wait3A_563] : memref<24x128xf32, #tpu.memory_space<vmem>> -> memref<1x128xf32, #tpu.memory_space<vmem>>
    %dma_wait3A_565 = tpu.memref_squeeze %dma_wait3A_564 : memref<1x128xf32, #tpu.memory_space<vmem>> -> memref<128xf32, #tpu.memory_space<vmem>>
    %dma_wait3A_566 = arith.constant 0 : i32
    %dma_wait3A_567 = tpu.memref_slice %arg5[%dma_wait3A_561, %dma_wait3A_566] : memref<4x128xi32, #tpu.memory_space<vmem>> -> memref<1x128xi32, #tpu.memory_space<vmem>>
    %dma_wait3A_568 = tpu.memref_squeeze %dma_wait3A_567 : memref<1x128xi32, #tpu.memory_space<vmem>> -> memref<128xi32, #tpu.memory_space<vmem>>
    %dma_wait3A_569 = arith.constant 400000 : i32
    %dma_wait3A_570 = tpu.memref_slice %arg2[%dma_wait3A_569] : memref<600000xf32, #tpu.memory_space<hbm>> -> memref<100000xf32, #tpu.memory_space<hbm>>
    %dma_wait3A_571 = arith.constant 0 : i32
    %dma_wait3A_572 = tpu.memref_slice %dma_wait3A_570[%dma_wait3A_571] : memref<100000xf32, #tpu.memory_space<hbm>> -> memref<100000xf32, #tpu.memory_space<hbm>>
    tpu.wait_indirect_dma semaphore(%arg7 : memref<!tpu.dma_semaphore, #tpu.memory_space<semaphore_mem>>) src(%dma_wait3A_572 : memref<100000xf32, #tpu.memory_space<hbm>>) dst(%dma_wait3A_565 : memref<128xf32, #tpu.memory_space<vmem>>)
    %dma_wait3A_573 = arith.constant 3 : i32
    %dma_wait3A_574 = arith.constant 19 : i32
    %dma_wait3A_575 = arith.constant 0 : i32
    %dma_wait3A_576 = tpu.memref_slice %arg6[%dma_wait3A_574, %dma_wait3A_575] : memref<24x128xf32, #tpu.memory_space<vmem>> -> memref<1x128xf32, #tpu.memory_space<vmem>>
    %dma_wait3A_577 = tpu.memref_squeeze %dma_wait3A_576 : memref<1x128xf32, #tpu.memory_space<vmem>> -> memref<128xf32, #tpu.memory_space<vmem>>
    %dma_wait3A_578 = arith.constant 0 : i32
    %dma_wait3A_579 = tpu.memref_slice %arg5[%dma_wait3A_573, %dma_wait3A_578] : memref<4x128xi32, #tpu.memory_space<vmem>> -> memref<1x128xi32, #tpu.memory_space<vmem>>
    %dma_wait3A_580 = tpu.memref_squeeze %dma_wait3A_579 : memref<1x128xi32, #tpu.memory_space<vmem>> -> memref<128xi32, #tpu.memory_space<vmem>>
    %dma_wait3A_581 = arith.constant 400000 : i32
    %dma_wait3A_582 = tpu.memref_slice %arg2[%dma_wait3A_581] : memref<600000xf32, #tpu.memory_space<hbm>> -> memref<100000xf32, #tpu.memory_space<hbm>>
    %dma_wait3A_583 = arith.constant 0 : i32
    %dma_wait3A_584 = tpu.memref_slice %dma_wait3A_582[%dma_wait3A_583] : memref<100000xf32, #tpu.memory_space<hbm>> -> memref<100000xf32, #tpu.memory_space<hbm>>
    tpu.wait_indirect_dma semaphore(%arg7 : memref<!tpu.dma_semaphore, #tpu.memory_space<semaphore_mem>>) src(%dma_wait3A_584 : memref<100000xf32, #tpu.memory_space<hbm>>) dst(%dma_wait3A_577 : memref<128xf32, #tpu.memory_space<vmem>>)
    %mul3A_585 = arith.constant 4 : i32
    %mul3A_586 = arith.muli %add3A, %mul3A_585 : i32
    %add3A_587 = arith.constant 512 : i32
    %add3A_588 = arith.addi %add3A_587, %mul3A_586 : i32
    %dma_start3A_589 = arith.constant 16 : i32
    %dma_start3A_590 = arith.constant 0 : i32
    %dma_start3A_591 = tpu.memref_slice %arg6[%dma_start3A_589, %dma_start3A_590] : memref<24x128xf32, #tpu.memory_space<vmem>> -> memref<4x128xf32, #tpu.memory_space<vmem>>
    %dma_start3A_592 = arith.constant 0 : i32
    %dma_start3A_593 = tpu.memref_slice %arg4[%add3A_588, %dma_start3A_592] : memref<768x128xf32, #tpu.memory_space<hbm>> -> memref<4x128xf32, #tpu.memory_space<hbm>>
    %dma_start3A_594 = arith.constant 0 : i32
    %dma_start3A_595 = tpu.memref_slice %arg4[%add3A_588, %dma_start3A_594] : memref<768x128xf32, #tpu.memory_space<hbm>> -> memref<4x128xf32, #tpu.memory_space<hbm>>
    %dma_start3A_596 = arith.constant 16 : i32
    %dma_start3A_597 = arith.constant 0 : i32
    %dma_start3A_598 = tpu.memref_slice %arg6[%dma_start3A_596, %dma_start3A_597] : memref<24x128xf32, #tpu.memory_space<vmem>> -> memref<4x128xf32, #tpu.memory_space<vmem>>
    tpu.enqueue_dma source(%dma_start3A_598 : memref<4x128xf32, #tpu.memory_space<vmem>>) target(%dma_start3A_595 : memref<4x128xf32, #tpu.memory_space<hbm>>) target_semaphore(%arg8 : memref<!tpu.dma_semaphore, #tpu.memory_space<semaphore_mem>>)
    %dma_wait3A_599 = arith.constant 0 : i32
    %dma_wait3A_600 = arith.constant 20 : i32
    %dma_wait3A_601 = arith.constant 0 : i32
    %dma_wait3A_602 = tpu.memref_slice %arg6[%dma_wait3A_600, %dma_wait3A_601] : memref<24x128xf32, #tpu.memory_space<vmem>> -> memref<1x128xf32, #tpu.memory_space<vmem>>
    %dma_wait3A_603 = tpu.memref_squeeze %dma_wait3A_602 : memref<1x128xf32, #tpu.memory_space<vmem>> -> memref<128xf32, #tpu.memory_space<vmem>>
    %dma_wait3A_604 = arith.constant 0 : i32
    %dma_wait3A_605 = tpu.memref_slice %arg5[%dma_wait3A_599, %dma_wait3A_604] : memref<4x128xi32, #tpu.memory_space<vmem>> -> memref<1x128xi32, #tpu.memory_space<vmem>>
    %dma_wait3A_606 = tpu.memref_squeeze %dma_wait3A_605 : memref<1x128xi32, #tpu.memory_space<vmem>> -> memref<128xi32, #tpu.memory_space<vmem>>
    %dma_wait3A_607 = arith.constant 500000 : i32
    %dma_wait3A_608 = tpu.memref_slice %arg2[%dma_wait3A_607] : memref<600000xf32, #tpu.memory_space<hbm>> -> memref<100000xf32, #tpu.memory_space<hbm>>
    %dma_wait3A_609 = arith.constant 0 : i32
    %dma_wait3A_610 = tpu.memref_slice %dma_wait3A_608[%dma_wait3A_609] : memref<100000xf32, #tpu.memory_space<hbm>> -> memref<100000xf32, #tpu.memory_space<hbm>>
    tpu.wait_indirect_dma semaphore(%arg7 : memref<!tpu.dma_semaphore, #tpu.memory_space<semaphore_mem>>) src(%dma_wait3A_610 : memref<100000xf32, #tpu.memory_space<hbm>>) dst(%dma_wait3A_603 : memref<128xf32, #tpu.memory_space<vmem>>)
    %dma_wait3A_611 = arith.constant 1 : i32
    %dma_wait3A_612 = arith.constant 21 : i32
    %dma_wait3A_613 = arith.constant 0 : i32
    %dma_wait3A_614 = tpu.memref_slice %arg6[%dma_wait3A_612, %dma_wait3A_613] : memref<24x128xf32, #tpu.memory_space<vmem>> -> memref<1x128xf32, #tpu.memory_space<vmem>>
    %dma_wait3A_615 = tpu.memref_squeeze %dma_wait3A_614 : memref<1x128xf32, #tpu.memory_space<vmem>> -> memref<128xf32, #tpu.memory_space<vmem>>
    %dma_wait3A_616 = arith.constant 0 : i32
    %dma_wait3A_617 = tpu.memref_slice %arg5[%dma_wait3A_611, %dma_wait3A_616] : memref<4x128xi32, #tpu.memory_space<vmem>> -> memref<1x128xi32, #tpu.memory_space<vmem>>
    %dma_wait3A_618 = tpu.memref_squeeze %dma_wait3A_617 : memref<1x128xi32, #tpu.memory_space<vmem>> -> memref<128xi32, #tpu.memory_space<vmem>>
    %dma_wait3A_619 = arith.constant 500000 : i32
    %dma_wait3A_620 = tpu.memref_slice %arg2[%dma_wait3A_619] : memref<600000xf32, #tpu.memory_space<hbm>> -> memref<100000xf32, #tpu.memory_space<hbm>>
    %dma_wait3A_621 = arith.constant 0 : i32
    %dma_wait3A_622 = tpu.memref_slice %dma_wait3A_620[%dma_wait3A_621] : memref<100000xf32, #tpu.memory_space<hbm>> -> memref<100000xf32, #tpu.memory_space<hbm>>
    tpu.wait_indirect_dma semaphore(%arg7 : memref<!tpu.dma_semaphore, #tpu.memory_space<semaphore_mem>>) src(%dma_wait3A_622 : memref<100000xf32, #tpu.memory_space<hbm>>) dst(%dma_wait3A_615 : memref<128xf32, #tpu.memory_space<vmem>>)
    %dma_wait3A_623 = arith.constant 2 : i32
    %dma_wait3A_624 = arith.constant 22 : i32
    %dma_wait3A_625 = arith.constant 0 : i32
    %dma_wait3A_626 = tpu.memref_slice %arg6[%dma_wait3A_624, %dma_wait3A_625] : memref<24x128xf32, #tpu.memory_space<vmem>> -> memref<1x128xf32, #tpu.memory_space<vmem>>
    %dma_wait3A_627 = tpu.memref_squeeze %dma_wait3A_626 : memref<1x128xf32, #tpu.memory_space<vmem>> -> memref<128xf32, #tpu.memory_space<vmem>>
    %dma_wait3A_628 = arith.constant 0 : i32
    %dma_wait3A_629 = tpu.memref_slice %arg5[%dma_wait3A_623, %dma_wait3A_628] : memref<4x128xi32, #tpu.memory_space<vmem>> -> memref<1x128xi32, #tpu.memory_space<vmem>>
    %dma_wait3A_630 = tpu.memref_squeeze %dma_wait3A_629 : memref<1x128xi32, #tpu.memory_space<vmem>> -> memref<128xi32, #tpu.memory_space<vmem>>
    %dma_wait3A_631 = arith.constant 500000 : i32
    %dma_wait3A_632 = tpu.memref_slice %arg2[%dma_wait3A_631] : memref<600000xf32, #tpu.memory_space<hbm>> -> memref<100000xf32, #tpu.memory_space<hbm>>
    %dma_wait3A_633 = arith.constant 0 : i32
    %dma_wait3A_634 = tpu.memref_slice %dma_wait3A_632[%dma_wait3A_633] : memref<100000xf32, #tpu.memory_space<hbm>> -> memref<100000xf32, #tpu.memory_space<hbm>>
    tpu.wait_indirect_dma semaphore(%arg7 : memref<!tpu.dma_semaphore, #tpu.memory_space<semaphore_mem>>) src(%dma_wait3A_634 : memref<100000xf32, #tpu.memory_space<hbm>>) dst(%dma_wait3A_627 : memref<128xf32, #tpu.memory_space<vmem>>)
    %dma_wait3A_635 = arith.constant 3 : i32
    %dma_wait3A_636 = arith.constant 23 : i32
    %dma_wait3A_637 = arith.constant 0 : i32
    %dma_wait3A_638 = tpu.memref_slice %arg6[%dma_wait3A_636, %dma_wait3A_637] : memref<24x128xf32, #tpu.memory_space<vmem>> -> memref<1x128xf32, #tpu.memory_space<vmem>>
    %dma_wait3A_639 = tpu.memref_squeeze %dma_wait3A_638 : memref<1x128xf32, #tpu.memory_space<vmem>> -> memref<128xf32, #tpu.memory_space<vmem>>
    %dma_wait3A_640 = arith.constant 0 : i32
    %dma_wait3A_641 = tpu.memref_slice %arg5[%dma_wait3A_635, %dma_wait3A_640] : memref<4x128xi32, #tpu.memory_space<vmem>> -> memref<1x128xi32, #tpu.memory_space<vmem>>
    %dma_wait3A_642 = tpu.memref_squeeze %dma_wait3A_641 : memref<1x128xi32, #tpu.memory_space<vmem>> -> memref<128xi32, #tpu.memory_space<vmem>>
    %dma_wait3A_643 = arith.constant 500000 : i32
    %dma_wait3A_644 = tpu.memref_slice %arg2[%dma_wait3A_643] : memref<600000xf32, #tpu.memory_space<hbm>> -> memref<100000xf32, #tpu.memory_space<hbm>>
    %dma_wait3A_645 = arith.constant 0 : i32
    %dma_wait3A_646 = tpu.memref_slice %dma_wait3A_644[%dma_wait3A_645] : memref<100000xf32, #tpu.memory_space<hbm>> -> memref<100000xf32, #tpu.memory_space<hbm>>
    tpu.wait_indirect_dma semaphore(%arg7 : memref<!tpu.dma_semaphore, #tpu.memory_space<semaphore_mem>>) src(%dma_wait3A_646 : memref<100000xf32, #tpu.memory_space<hbm>>) dst(%dma_wait3A_639 : memref<128xf32, #tpu.memory_space<vmem>>)
    %mul3A_647 = arith.constant 4 : i32
    %mul3A_648 = arith.muli %add3A, %mul3A_647 : i32
    %add3A_649 = arith.constant 640 : i32
    %add3A_650 = arith.addi %add3A_649, %mul3A_648 : i32
    %dma_start3A_651 = arith.constant 20 : i32
    %dma_start3A_652 = arith.constant 0 : i32
    %dma_start3A_653 = tpu.memref_slice %arg6[%dma_start3A_651, %dma_start3A_652] : memref<24x128xf32, #tpu.memory_space<vmem>> -> memref<4x128xf32, #tpu.memory_space<vmem>>
    %dma_start3A_654 = arith.constant 0 : i32
    %dma_start3A_655 = tpu.memref_slice %arg4[%add3A_650, %dma_start3A_654] : memref<768x128xf32, #tpu.memory_space<hbm>> -> memref<4x128xf32, #tpu.memory_space<hbm>>
    %dma_start3A_656 = arith.constant 0 : i32
    %dma_start3A_657 = tpu.memref_slice %arg4[%add3A_650, %dma_start3A_656] : memref<768x128xf32, #tpu.memory_space<hbm>> -> memref<4x128xf32, #tpu.memory_space<hbm>>
    %dma_start3A_658 = arith.constant 20 : i32
    %dma_start3A_659 = arith.constant 0 : i32
    %dma_start3A_660 = tpu.memref_slice %arg6[%dma_start3A_658, %dma_start3A_659] : memref<24x128xf32, #tpu.memory_space<vmem>> -> memref<4x128xf32, #tpu.memory_space<vmem>>
    tpu.enqueue_dma source(%dma_start3A_660 : memref<4x128xf32, #tpu.memory_space<vmem>>) target(%dma_start3A_657 : memref<4x128xf32, #tpu.memory_space<hbm>>) target_semaphore(%arg8 : memref<!tpu.dma_semaphore, #tpu.memory_space<semaphore_mem>>)
    %dma_wait3A_661 = arith.constant 0 : i32
    %dma_wait3A_662 = arith.constant 0 : i32
    %dma_wait3A_663 = tpu.memref_slice %arg6[%dma_wait3A_661, %dma_wait3A_662] : memref<24x128xf32, #tpu.memory_space<vmem>> -> memref<4x128xf32, #tpu.memory_space<vmem>>
    %dma_wait3A_664 = arith.constant 0 : i32
    %dma_wait3A_665 = tpu.memref_slice %arg4[%add3A_340, %dma_wait3A_664] : memref<768x128xf32, #tpu.memory_space<hbm>> -> memref<4x128xf32, #tpu.memory_space<hbm>>
    %dma_wait3A_666 = arith.constant 0 : i32
    %dma_wait3A_667 = tpu.memref_slice %arg4[%add3A_340, %dma_wait3A_666] : memref<768x128xf32, #tpu.memory_space<hbm>> -> memref<4x128xf32, #tpu.memory_space<hbm>>
    %dma_wait3A_668 = arith.constant 0 : i32
    %dma_wait3A_669 = arith.constant 0 : i32
    %dma_wait3A_670 = tpu.memref_slice %arg6[%dma_wait3A_668, %dma_wait3A_669] : memref<24x128xf32, #tpu.memory_space<vmem>> -> memref<4x128xf32, #tpu.memory_space<vmem>>
    tpu.wait_dma2 semaphore(%arg8 : memref<!tpu.dma_semaphore, #tpu.memory_space<semaphore_mem>>) src(%dma_wait3A_670 : memref<4x128xf32, #tpu.memory_space<vmem>>) dst(%dma_wait3A_667 : memref<4x128xf32, #tpu.memory_space<hbm>>)
    %dma_wait3A_671 = arith.constant 4 : i32
    %dma_wait3A_672 = arith.constant 0 : i32
    %dma_wait3A_673 = tpu.memref_slice %arg6[%dma_wait3A_671, %dma_wait3A_672] : memref<24x128xf32, #tpu.memory_space<vmem>> -> memref<4x128xf32, #tpu.memory_space<vmem>>
    %dma_wait3A_674 = arith.constant 0 : i32
    %dma_wait3A_675 = tpu.memref_slice %arg4[%add3A_402, %dma_wait3A_674] : memref<768x128xf32, #tpu.memory_space<hbm>> -> memref<4x128xf32, #tpu.memory_space<hbm>>
    %dma_wait3A_676 = arith.constant 0 : i32
    %dma_wait3A_677 = tpu.memref_slice %arg4[%add3A_402, %dma_wait3A_676] : memref<768x128xf32, #tpu.memory_space<hbm>> -> memref<4x128xf32, #tpu.memory_space<hbm>>
    %dma_wait3A_678 = arith.constant 4 : i32
    %dma_wait3A_679 = arith.constant 0 : i32
    %dma_wait3A_680 = tpu.memref_slice %arg6[%dma_wait3A_678, %dma_wait3A_679] : memref<24x128xf32, #tpu.memory_space<vmem>> -> memref<4x128xf32, #tpu.memory_space<vmem>>
    tpu.wait_dma2 semaphore(%arg8 : memref<!tpu.dma_semaphore, #tpu.memory_space<semaphore_mem>>) src(%dma_wait3A_680 : memref<4x128xf32, #tpu.memory_space<vmem>>) dst(%dma_wait3A_677 : memref<4x128xf32, #tpu.memory_space<hbm>>)
    %dma_wait3A_681 = arith.constant 8 : i32
    %dma_wait3A_682 = arith.constant 0 : i32
    %dma_wait3A_683 = tpu.memref_slice %arg6[%dma_wait3A_681, %dma_wait3A_682] : memref<24x128xf32, #tpu.memory_space<vmem>> -> memref<4x128xf32, #tpu.memory_space<vmem>>
    %dma_wait3A_684 = arith.constant 0 : i32
    %dma_wait3A_685 = tpu.memref_slice %arg4[%add3A_464, %dma_wait3A_684] : memref<768x128xf32, #tpu.memory_space<hbm>> -> memref<4x128xf32, #tpu.memory_space<hbm>>
    %dma_wait3A_686 = arith.constant 0 : i32
    %dma_wait3A_687 = tpu.memref_slice %arg4[%add3A_464, %dma_wait3A_686] : memref<768x128xf32, #tpu.memory_space<hbm>> -> memref<4x128xf32, #tpu.memory_space<hbm>>
    %dma_wait3A_688 = arith.constant 8 : i32
    %dma_wait3A_689 = arith.constant 0 : i32
    %dma_wait3A_690 = tpu.memref_slice %arg6[%dma_wait3A_688, %dma_wait3A_689] : memref<24x128xf32, #tpu.memory_space<vmem>> -> memref<4x128xf32, #tpu.memory_space<vmem>>
    tpu.wait_dma2 semaphore(%arg8 : memref<!tpu.dma_semaphore, #tpu.memory_space<semaphore_mem>>) src(%dma_wait3A_690 : memref<4x128xf32, #tpu.memory_space<vmem>>) dst(%dma_wait3A_687 : memref<4x128xf32, #tpu.memory_space<hbm>>)
    %dma_wait3A_691 = arith.constant 12 : i32
    %dma_wait3A_692 = arith.constant 0 : i32
    %dma_wait3A_693 = tpu.memref_slice %arg6[%dma_wait3A_691, %dma_wait3A_692] : memref<24x128xf32, #tpu.memory_space<vmem>> -> memref<4x128xf32, #tpu.memory_space<vmem>>
    %dma_wait3A_694 = arith.constant 0 : i32
    %dma_wait3A_695 = tpu.memref_slice %arg4[%add3A_526, %dma_wait3A_694] : memref<768x128xf32, #tpu.memory_space<hbm>> -> memref<4x128xf32, #tpu.memory_space<hbm>>
    %dma_wait3A_696 = arith.constant 0 : i32
    %dma_wait3A_697 = tpu.memref_slice %arg4[%add3A_526, %dma_wait3A_696] : memref<768x128xf32, #tpu.memory_space<hbm>> -> memref<4x128xf32, #tpu.memory_space<hbm>>
    %dma_wait3A_698 = arith.constant 12 : i32
    %dma_wait3A_699 = arith.constant 0 : i32
    %dma_wait3A_700 = tpu.memref_slice %arg6[%dma_wait3A_698, %dma_wait3A_699] : memref<24x128xf32, #tpu.memory_space<vmem>> -> memref<4x128xf32, #tpu.memory_space<vmem>>
    tpu.wait_dma2 semaphore(%arg8 : memref<!tpu.dma_semaphore, #tpu.memory_space<semaphore_mem>>) src(%dma_wait3A_700 : memref<4x128xf32, #tpu.memory_space<vmem>>) dst(%dma_wait3A_697 : memref<4x128xf32, #tpu.memory_space<hbm>>)
    %dma_wait3A_701 = arith.constant 16 : i32
    %dma_wait3A_702 = arith.constant 0 : i32
    %dma_wait3A_703 = tpu.memref_slice %arg6[%dma_wait3A_701, %dma_wait3A_702] : memref<24x128xf32, #tpu.memory_space<vmem>> -> memref<4x128xf32, #tpu.memory_space<vmem>>
    %dma_wait3A_704 = arith.constant 0 : i32
    %dma_wait3A_705 = tpu.memref_slice %arg4[%add3A_588, %dma_wait3A_704] : memref<768x128xf32, #tpu.memory_space<hbm>> -> memref<4x128xf32, #tpu.memory_space<hbm>>
    %dma_wait3A_706 = arith.constant 0 : i32
    %dma_wait3A_707 = tpu.memref_slice %arg4[%add3A_588, %dma_wait3A_706] : memref<768x128xf32, #tpu.memory_space<hbm>> -> memref<4x128xf32, #tpu.memory_space<hbm>>
    %dma_wait3A_708 = arith.constant 16 : i32
    %dma_wait3A_709 = arith.constant 0 : i32
    %dma_wait3A_710 = tpu.memref_slice %arg6[%dma_wait3A_708, %dma_wait3A_709] : memref<24x128xf32, #tpu.memory_space<vmem>> -> memref<4x128xf32, #tpu.memory_space<vmem>>
    tpu.wait_dma2 semaphore(%arg8 : memref<!tpu.dma_semaphore, #tpu.memory_space<semaphore_mem>>) src(%dma_wait3A_710 : memref<4x128xf32, #tpu.memory_space<vmem>>) dst(%dma_wait3A_707 : memref<4x128xf32, #tpu.memory_space<hbm>>)
    %dma_wait3A_711 = arith.constant 20 : i32
    %dma_wait3A_712 = arith.constant 0 : i32
    %dma_wait3A_713 = tpu.memref_slice %arg6[%dma_wait3A_711, %dma_wait3A_712] : memref<24x128xf32, #tpu.memory_space<vmem>> -> memref<4x128xf32, #tpu.memory_space<vmem>>
    %dma_wait3A_714 = arith.constant 0 : i32
    %dma_wait3A_715 = tpu.memref_slice %arg4[%add3A_650, %dma_wait3A_714] : memref<768x128xf32, #tpu.memory_space<hbm>> -> memref<4x128xf32, #tpu.memory_space<hbm>>
    %dma_wait3A_716 = arith.constant 0 : i32
    %dma_wait3A_717 = tpu.memref_slice %arg4[%add3A_650, %dma_wait3A_716] : memref<768x128xf32, #tpu.memory_space<hbm>> -> memref<4x128xf32, #tpu.memory_space<hbm>>
    %dma_wait3A_718 = arith.constant 20 : i32
    %dma_wait3A_719 = arith.constant 0 : i32
    %dma_wait3A_720 = tpu.memref_slice %arg6[%dma_wait3A_718, %dma_wait3A_719] : memref<24x128xf32, #tpu.memory_space<vmem>> -> memref<4x128xf32, #tpu.memory_space<vmem>>
    tpu.wait_dma2 semaphore(%arg8 : memref<!tpu.dma_semaphore, #tpu.memory_space<semaphore_mem>>) src(%dma_wait3A_720 : memref<4x128xf32, #tpu.memory_space<vmem>>) dst(%dma_wait3A_717 : memref<4x128xf32, #tpu.memory_space<hbm>>)
    return
  }
}

module attributes {stable_mosaic.version = 14 : i64} {
  func.func @_expmap_body(%arg0: i32, %arg1: memref<6x64x128xf32, #tpu.memory_space<vmem>>, %arg2: memref<12x64x128xf32, #tpu.memory_space<vmem>>) attributes {dimension_semantics = [#tpu.dimension_semantics<arbitrary>], iteration_bounds = array<i64: 2>, scalar_prefetch = 0 : i64, scratch_operands = 0 : i64, tpu.core_type = #tpu.core_type<tc>, window_params = [{transform_indices = @transform_0, window_bounds = array<i64: 6, 64, 128>}, {transform_indices = @transform_1, window_bounds = array<i64: 12, 64, 128>}]} {
    %get3A = arith.constant 0 : index
    %get3A_0 = arith.constant 0 : index
    %get3A_1 = arith.constant 0 : index
    %get3A_2 = vector.load %arg1[%get3A, %get3A_0, %get3A_1] : memref<6x64x128xf32, #tpu.memory_space<vmem>>, vector<1x64x128xf32>
    %get3A_3 = vector.shape_cast %get3A_2 : vector<1x64x128xf32> to vector<64x128xf32>
    %get3A_4 = arith.constant 1 : index
    %get3A_5 = arith.constant 0 : index
    %get3A_6 = arith.constant 0 : index
    %get3A_7 = vector.load %arg1[%get3A_4, %get3A_5, %get3A_6] : memref<6x64x128xf32, #tpu.memory_space<vmem>>, vector<1x64x128xf32>
    %get3A_8 = vector.shape_cast %get3A_7 : vector<1x64x128xf32> to vector<64x128xf32>
    %get3A_9 = arith.constant 2 : index
    %get3A_10 = arith.constant 0 : index
    %get3A_11 = arith.constant 0 : index
    %get3A_12 = vector.load %arg1[%get3A_9, %get3A_10, %get3A_11] : memref<6x64x128xf32, #tpu.memory_space<vmem>>, vector<1x64x128xf32>
    %get3A_13 = vector.shape_cast %get3A_12 : vector<1x64x128xf32> to vector<64x128xf32>
    %get3A_14 = arith.constant 3 : index
    %get3A_15 = arith.constant 0 : index
    %get3A_16 = arith.constant 0 : index
    %get3A_17 = vector.load %arg1[%get3A_14, %get3A_15, %get3A_16] : memref<6x64x128xf32, #tpu.memory_space<vmem>>, vector<1x64x128xf32>
    %get3A_18 = vector.shape_cast %get3A_17 : vector<1x64x128xf32> to vector<64x128xf32>
    %get3A_19 = arith.constant 4 : index
    %get3A_20 = arith.constant 0 : index
    %get3A_21 = arith.constant 0 : index
    %get3A_22 = vector.load %arg1[%get3A_19, %get3A_20, %get3A_21] : memref<6x64x128xf32, #tpu.memory_space<vmem>>, vector<1x64x128xf32>
    %get3A_23 = vector.shape_cast %get3A_22 : vector<1x64x128xf32> to vector<64x128xf32>
    %get3A_24 = arith.constant 5 : index
    %get3A_25 = arith.constant 0 : index
    %get3A_26 = arith.constant 0 : index
    %get3A_27 = vector.load %arg1[%get3A_24, %get3A_25, %get3A_26] : memref<6x64x128xf32, #tpu.memory_space<vmem>>, vector<1x64x128xf32>
    %get3A_28 = vector.shape_cast %get3A_27 : vector<1x64x128xf32> to vector<64x128xf32>
    %mul3A = arith.mulf %get3A_18, %get3A_18 : vector<64x128xf32>
    %mul3A_29 = arith.mulf %get3A_23, %get3A_23 : vector<64x128xf32>
    %add3A = arith.addf %mul3A, %mul3A_29 : vector<64x128xf32>
    %mul3A_30 = arith.mulf %get3A_28, %get3A_28 : vector<64x128xf32>
    %add3A_31 = arith.addf %add3A, %mul3A_30 : vector<64x128xf32>
    %lt3A = arith.constant 9.99999974E-5 : f32
    %lt3A_32 = vector.broadcast %lt3A : f32 to vector<64x128xf32>
    %lt3A_33 = arith.cmpf olt, %add3A_31, %lt3A_32 : vector<64x128xf32>
    %broadcast_in_dim3A = arith.constant 1.000000e+00 : f32
    %broadcast_in_dim3A_34 = vector.broadcast %broadcast_in_dim3A : f32 to vector<64x128xf32>
    %select_n3A = arith.select %lt3A_33, %broadcast_in_dim3A_34, %add3A_31 : vector<64x128xi1>, vector<64x128xf32>
    %rsqrt3A = math.rsqrt %select_n3A : vector<64x128xf32>
    %mul3A_35 = arith.mulf %select_n3A, %rsqrt3A : vector<64x128xf32>
    %mul3A_36 = arith.mulf %rsqrt3A, %rsqrt3A : vector<64x128xf32>
    %mul3A_37 = arith.mulf %mul3A_36, %rsqrt3A : vector<64x128xf32>
    %sin3A = math.sin %mul3A_35 : vector<64x128xf32>
    %add3A_38 = arith.constant 4.000000e+00 : f32
    %add3A_39 = vector.broadcast %add3A_38 : f32 to vector<64x128xf32>
    %add3A_40 = arith.addf %add3A_39, %add3A_31 : vector<64x128xf32>
    %div3A = arith.constant 8.000000e+00 : f32
    %div3A_41 = vector.broadcast %div3A : f32 to vector<64x128xf32>
    %div3A_42 = arith.divf %div3A_41, %add3A_40 : vector<64x128xf32>
    %sub3A = arith.constant 1.000000e+00 : f32
    %sub3A_43 = vector.broadcast %sub3A : f32 to vector<64x128xf32>
    %sub3A_44 = arith.subf %div3A_42, %sub3A_43 : vector<64x128xf32>
    %cos3A = math.cos %mul3A_35 : vector<64x128xf32>
    %select_n3A_45 = arith.select %lt3A_33, %sub3A_44, %cos3A : vector<64x128xi1>, vector<64x128xf32>
    %mul3A_46 = arith.constant 5.000000e-01 : f32
    %mul3A_47 = vector.broadcast %mul3A_46 : f32 to vector<64x128xf32>
    %mul3A_48 = arith.mulf %mul3A_47, %select_n3A_45 : vector<64x128xf32>
    %add3A_49 = arith.constant 5.000000e-01 : f32
    %add3A_50 = vector.broadcast %add3A_49 : f32 to vector<64x128xf32>
    %add3A_51 = arith.addf %mul3A_48, %add3A_50 : vector<64x128xf32>
    %mul3A_52 = arith.mulf %sin3A, %rsqrt3A : vector<64x128xf32>
    %select_n3A_53 = arith.select %lt3A_33, %add3A_51, %mul3A_52 : vector<64x128xi1>, vector<64x128xf32>
    %mul3A_54 = arith.constant 5.000000e-01 : f32
    %mul3A_55 = vector.broadcast %mul3A_54 : f32 to vector<64x128xf32>
    %mul3A_56 = arith.mulf %mul3A_55, %select_n3A_53 : vector<64x128xf32>
    %sub3A_57 = arith.constant 1.000000e+00 : f32
    %sub3A_58 = vector.broadcast %sub3A_57 : f32 to vector<64x128xf32>
    %sub3A_59 = arith.subf %sub3A_58, %select_n3A_45 : vector<64x128xf32>
    %mul3A_60 = arith.mulf %sub3A_59, %mul3A_36 : vector<64x128xf32>
    %select_n3A_61 = arith.select %lt3A_33, %mul3A_56, %mul3A_60 : vector<64x128xi1>, vector<64x128xf32>
    %mul3A_62 = arith.mulf %select_n3A_61, %get3A_18 : vector<64x128xf32>
    %mul3A_63 = arith.mulf %mul3A_62, %get3A_18 : vector<64x128xf32>
    %add3A_64 = arith.addf %mul3A_63, %select_n3A_45 : vector<64x128xf32>
    %swap3A = arith.constant 0 : index
    %swap3A_65 = arith.constant 0 : index
    %swap3A_66 = arith.constant 0 : index
    %swap3A_67 = vector.load %arg2[%swap3A, %swap3A_65, %swap3A_66] : memref<12x64x128xf32, #tpu.memory_space<vmem>>, vector<1x64x128xf32>
    %swap3A_68 = vector.shape_cast %swap3A_67 : vector<1x64x128xf32> to vector<64x128xf32>
    %swap3A_69 = vector.shape_cast %add3A_64 : vector<64x128xf32> to vector<1x64x128xf32>
    tpu.vector_store %arg2[%swap3A, %swap3A_65, %swap3A_66], %swap3A_69 {strides = array<i32>} : memref<12x64x128xf32, #tpu.memory_space<vmem>>, vector<1x64x128xf32>,
    %mul3A_70 = arith.mulf %select_n3A_61, %get3A_18 : vector<64x128xf32>
    %mul3A_71 = arith.mulf %mul3A_70, %get3A_23 : vector<64x128xf32>
    %mul3A_72 = arith.mulf %select_n3A_53, %get3A_28 : vector<64x128xf32>
    %sub3A_73 = arith.subf %mul3A_71, %mul3A_72 : vector<64x128xf32>
    %swap3A_74 = arith.constant 3 : index
    %swap3A_75 = arith.constant 0 : index
    %swap3A_76 = arith.constant 0 : index
    %swap3A_77 = vector.load %arg2[%swap3A_74, %swap3A_75, %swap3A_76] : memref<12x64x128xf32, #tpu.memory_space<vmem>>, vector<1x64x128xf32>
    %swap3A_78 = vector.shape_cast %swap3A_77 : vector<1x64x128xf32> to vector<64x128xf32>
    %swap3A_79 = vector.shape_cast %sub3A_73 : vector<64x128xf32> to vector<1x64x128xf32>
    tpu.vector_store %arg2[%swap3A_74, %swap3A_75, %swap3A_76], %swap3A_79 {strides = array<i32>} : memref<12x64x128xf32, #tpu.memory_space<vmem>>, vector<1x64x128xf32>,
    %mul3A_80 = arith.mulf %select_n3A_61, %get3A_18 : vector<64x128xf32>
    %mul3A_81 = arith.mulf %mul3A_80, %get3A_28 : vector<64x128xf32>
    %mul3A_82 = arith.mulf %select_n3A_53, %get3A_23 : vector<64x128xf32>
    %add3A_83 = arith.addf %mul3A_81, %mul3A_82 : vector<64x128xf32>
    %swap3A_84 = arith.constant 6 : index
    %swap3A_85 = arith.constant 0 : index
    %swap3A_86 = arith.constant 0 : index
    %swap3A_87 = vector.load %arg2[%swap3A_84, %swap3A_85, %swap3A_86] : memref<12x64x128xf32, #tpu.memory_space<vmem>>, vector<1x64x128xf32>
    %swap3A_88 = vector.shape_cast %swap3A_87 : vector<1x64x128xf32> to vector<64x128xf32>
    %swap3A_89 = vector.shape_cast %add3A_83 : vector<64x128xf32> to vector<1x64x128xf32>
    tpu.vector_store %arg2[%swap3A_84, %swap3A_85, %swap3A_86], %swap3A_89 {strides = array<i32>} : memref<12x64x128xf32, #tpu.memory_space<vmem>>, vector<1x64x128xf32>,
    %mul3A_90 = arith.mulf %select_n3A_61, %get3A_23 : vector<64x128xf32>
    %mul3A_91 = arith.mulf %mul3A_90, %get3A_18 : vector<64x128xf32>
    %mul3A_92 = arith.mulf %select_n3A_53, %get3A_28 : vector<64x128xf32>
    %add3A_93 = arith.addf %mul3A_91, %mul3A_92 : vector<64x128xf32>
    %swap3A_94 = arith.constant 1 : index
    %swap3A_95 = arith.constant 0 : index
    %swap3A_96 = arith.constant 0 : index
    %swap3A_97 = vector.load %arg2[%swap3A_94, %swap3A_95, %swap3A_96] : memref<12x64x128xf32, #tpu.memory_space<vmem>>, vector<1x64x128xf32>
    %swap3A_98 = vector.shape_cast %swap3A_97 : vector<1x64x128xf32> to vector<64x128xf32>
    %swap3A_99 = vector.shape_cast %add3A_93 : vector<64x128xf32> to vector<1x64x128xf32>
    tpu.vector_store %arg2[%swap3A_94, %swap3A_95, %swap3A_96], %swap3A_99 {strides = array<i32>} : memref<12x64x128xf32, #tpu.memory_space<vmem>>, vector<1x64x128xf32>,
    %mul3A_100 = arith.mulf %select_n3A_61, %get3A_23 : vector<64x128xf32>
    %mul3A_101 = arith.mulf %mul3A_100, %get3A_23 : vector<64x128xf32>
    %add3A_102 = arith.addf %mul3A_101, %select_n3A_45 : vector<64x128xf32>
    %swap3A_103 = arith.constant 4 : index
    %swap3A_104 = arith.constant 0 : index
    %swap3A_105 = arith.constant 0 : index
    %swap3A_106 = vector.load %arg2[%swap3A_103, %swap3A_104, %swap3A_105] : memref<12x64x128xf32, #tpu.memory_space<vmem>>, vector<1x64x128xf32>
    %swap3A_107 = vector.shape_cast %swap3A_106 : vector<1x64x128xf32> to vector<64x128xf32>
    %swap3A_108 = vector.shape_cast %add3A_102 : vector<64x128xf32> to vector<1x64x128xf32>
    tpu.vector_store %arg2[%swap3A_103, %swap3A_104, %swap3A_105], %swap3A_108 {strides = array<i32>} : memref<12x64x128xf32, #tpu.memory_space<vmem>>, vector<1x64x128xf32>,
    %mul3A_109 = arith.mulf %select_n3A_61, %get3A_23 : vector<64x128xf32>
    %mul3A_110 = arith.mulf %mul3A_109, %get3A_28 : vector<64x128xf32>
    %mul3A_111 = arith.mulf %select_n3A_53, %get3A_18 : vector<64x128xf32>
    %sub3A_112 = arith.subf %mul3A_110, %mul3A_111 : vector<64x128xf32>
    %swap3A_113 = arith.constant 7 : index
    %swap3A_114 = arith.constant 0 : index
    %swap3A_115 = arith.constant 0 : index
    %swap3A_116 = vector.load %arg2[%swap3A_113, %swap3A_114, %swap3A_115] : memref<12x64x128xf32, #tpu.memory_space<vmem>>, vector<1x64x128xf32>
    %swap3A_117 = vector.shape_cast %swap3A_116 : vector<1x64x128xf32> to vector<64x128xf32>
    %swap3A_118 = vector.shape_cast %sub3A_112 : vector<64x128xf32> to vector<1x64x128xf32>
    tpu.vector_store %arg2[%swap3A_113, %swap3A_114, %swap3A_115], %swap3A_118 {strides = array<i32>} : memref<12x64x128xf32, #tpu.memory_space<vmem>>, vector<1x64x128xf32>,
    %mul3A_119 = arith.mulf %select_n3A_61, %get3A_28 : vector<64x128xf32>
    %mul3A_120 = arith.mulf %mul3A_119, %get3A_18 : vector<64x128xf32>
    %mul3A_121 = arith.mulf %select_n3A_53, %get3A_23 : vector<64x128xf32>
    %sub3A_122 = arith.subf %mul3A_120, %mul3A_121 : vector<64x128xf32>
    %swap3A_123 = arith.constant 2 : index
    %swap3A_124 = arith.constant 0 : index
    %swap3A_125 = arith.constant 0 : index
    %swap3A_126 = vector.load %arg2[%swap3A_123, %swap3A_124, %swap3A_125] : memref<12x64x128xf32, #tpu.memory_space<vmem>>, vector<1x64x128xf32>
    %swap3A_127 = vector.shape_cast %swap3A_126 : vector<1x64x128xf32> to vector<64x128xf32>
    %swap3A_128 = vector.shape_cast %sub3A_122 : vector<64x128xf32> to vector<1x64x128xf32>
    tpu.vector_store %arg2[%swap3A_123, %swap3A_124, %swap3A_125], %swap3A_128 {strides = array<i32>} : memref<12x64x128xf32, #tpu.memory_space<vmem>>, vector<1x64x128xf32>,
    %mul3A_129 = arith.mulf %select_n3A_61, %get3A_28 : vector<64x128xf32>
    %mul3A_130 = arith.mulf %mul3A_129, %get3A_23 : vector<64x128xf32>
    %mul3A_131 = arith.mulf %select_n3A_53, %get3A_18 : vector<64x128xf32>
    %add3A_132 = arith.addf %mul3A_130, %mul3A_131 : vector<64x128xf32>
    %swap3A_133 = arith.constant 5 : index
    %swap3A_134 = arith.constant 0 : index
    %swap3A_135 = arith.constant 0 : index
    %swap3A_136 = vector.load %arg2[%swap3A_133, %swap3A_134, %swap3A_135] : memref<12x64x128xf32, #tpu.memory_space<vmem>>, vector<1x64x128xf32>
    %swap3A_137 = vector.shape_cast %swap3A_136 : vector<1x64x128xf32> to vector<64x128xf32>
    %swap3A_138 = vector.shape_cast %add3A_132 : vector<64x128xf32> to vector<1x64x128xf32>
    tpu.vector_store %arg2[%swap3A_133, %swap3A_134, %swap3A_135], %swap3A_138 {strides = array<i32>} : memref<12x64x128xf32, #tpu.memory_space<vmem>>, vector<1x64x128xf32>,
    %mul3A_139 = arith.mulf %select_n3A_61, %get3A_28 : vector<64x128xf32>
    %mul3A_140 = arith.mulf %mul3A_139, %get3A_28 : vector<64x128xf32>
    %add3A_141 = arith.addf %mul3A_140, %select_n3A_45 : vector<64x128xf32>
    %swap3A_142 = arith.constant 8 : index
    %swap3A_143 = arith.constant 0 : index
    %swap3A_144 = arith.constant 0 : index
    %swap3A_145 = vector.load %arg2[%swap3A_142, %swap3A_143, %swap3A_144] : memref<12x64x128xf32, #tpu.memory_space<vmem>>, vector<1x64x128xf32>
    %swap3A_146 = vector.shape_cast %swap3A_145 : vector<1x64x128xf32> to vector<64x128xf32>
    %swap3A_147 = vector.shape_cast %add3A_141 : vector<64x128xf32> to vector<1x64x128xf32>
    tpu.vector_store %arg2[%swap3A_142, %swap3A_143, %swap3A_144], %swap3A_147 {strides = array<i32>} : memref<12x64x128xf32, #tpu.memory_space<vmem>>, vector<1x64x128xf32>,
    %div3A_148 = arith.constant 6.000000e+00 : f32
    %div3A_149 = vector.broadcast %div3A_148 : f32 to vector<64x128xf32>
    %div3A_150 = arith.divf %add3A_31, %div3A_149 : vector<64x128xf32>
    %sub3A_151 = arith.constant 1.000000e+00 : f32
    %sub3A_152 = vector.broadcast %sub3A_151 : f32 to vector<64x128xf32>
    %sub3A_153 = arith.subf %sub3A_152, %div3A_150 : vector<64x128xf32>
    %select_n3A_154 = arith.select %lt3A_33, %sub3A_153, %select_n3A_53 : vector<64x128xi1>, vector<64x128xf32>
    %div3A_155 = arith.constant 2.400000e+01 : f32
    %div3A_156 = vector.broadcast %div3A_155 : f32 to vector<64x128xf32>
    %div3A_157 = arith.divf %add3A_31, %div3A_156 : vector<64x128xf32>
    %sub3A_158 = arith.constant 5.000000e-01 : f32
    %sub3A_159 = vector.broadcast %sub3A_158 : f32 to vector<64x128xf32>
    %sub3A_160 = arith.subf %sub3A_159, %div3A_157 : vector<64x128xf32>
    %select_n3A_161 = arith.select %lt3A_33, %sub3A_160, %select_n3A_61 : vector<64x128xi1>, vector<64x128xf32>
    %div3A_162 = arith.constant 1.200000e+02 : f32
    %div3A_163 = vector.broadcast %div3A_162 : f32 to vector<64x128xf32>
    %div3A_164 = arith.divf %add3A_31, %div3A_163 : vector<64x128xf32>
    %sub3A_165 = arith.constant 0.166666672 : f32
    %sub3A_166 = vector.broadcast %sub3A_165 : f32 to vector<64x128xf32>
    %sub3A_167 = arith.subf %sub3A_166, %div3A_164 : vector<64x128xf32>
    %sub3A_168 = arith.subf %mul3A_35, %sin3A : vector<64x128xf32>
    %mul3A_169 = arith.mulf %sub3A_168, %mul3A_37 : vector<64x128xf32>
    %select_n3A_170 = arith.select %lt3A_33, %sub3A_167, %mul3A_169 : vector<64x128xi1>, vector<64x128xf32>
    %mul3A_171 = arith.mulf %get3A_18, %get3A_3 : vector<64x128xf32>
    %mul3A_172 = arith.mulf %get3A_23, %get3A_8 : vector<64x128xf32>
    %add3A_173 = arith.addf %mul3A_171, %mul3A_172 : vector<64x128xf32>
    %mul3A_174 = arith.mulf %get3A_28, %get3A_13 : vector<64x128xf32>
    %add3A_175 = arith.addf %add3A_173, %mul3A_174 : vector<64x128xf32>
    %mul3A_176 = arith.mulf %select_n3A_154, %get3A_3 : vector<64x128xf32>
    %mul3A_177 = arith.mulf %get3A_23, %get3A_13 : vector<64x128xf32>
    %mul3A_178 = arith.mulf %get3A_28, %get3A_8 : vector<64x128xf32>
    %sub3A_179 = arith.subf %mul3A_177, %mul3A_178 : vector<64x128xf32>
    %mul3A_180 = arith.mulf %select_n3A_161, %sub3A_179 : vector<64x128xf32>
    %add3A_181 = arith.addf %mul3A_176, %mul3A_180 : vector<64x128xf32>
    %mul3A_182 = arith.mulf %select_n3A_170, %add3A_175 : vector<64x128xf32>
    %mul3A_183 = arith.mulf %mul3A_182, %get3A_18 : vector<64x128xf32>
    %add3A_184 = arith.addf %add3A_181, %mul3A_183 : vector<64x128xf32>
    %swap3A_185 = arith.constant 9 : index
    %swap3A_186 = arith.constant 0 : index
    %swap3A_187 = arith.constant 0 : index
    %swap3A_188 = vector.load %arg2[%swap3A_185, %swap3A_186, %swap3A_187] : memref<12x64x128xf32, #tpu.memory_space<vmem>>, vector<1x64x128xf32>
    %swap3A_189 = vector.shape_cast %swap3A_188 : vector<1x64x128xf32> to vector<64x128xf32>
    %swap3A_190 = vector.shape_cast %add3A_184 : vector<64x128xf32> to vector<1x64x128xf32>
    tpu.vector_store %arg2[%swap3A_185, %swap3A_186, %swap3A_187], %swap3A_190 {strides = array<i32>} : memref<12x64x128xf32, #tpu.memory_space<vmem>>, vector<1x64x128xf32>,
    %mul3A_191 = arith.mulf %select_n3A_154, %get3A_8 : vector<64x128xf32>
    %mul3A_192 = arith.mulf %get3A_28, %get3A_3 : vector<64x128xf32>
    %mul3A_193 = arith.mulf %get3A_18, %get3A_13 : vector<64x128xf32>
    %sub3A_194 = arith.subf %mul3A_192, %mul3A_193 : vector<64x128xf32>
    %mul3A_195 = arith.mulf %select_n3A_161, %sub3A_194 : vector<64x128xf32>
    %add3A_196 = arith.addf %mul3A_191, %mul3A_195 : vector<64x128xf32>
    %mul3A_197 = arith.mulf %select_n3A_170, %add3A_175 : vector<64x128xf32>
    %mul3A_198 = arith.mulf %mul3A_197, %get3A_23 : vector<64x128xf32>
    %add3A_199 = arith.addf %add3A_196, %mul3A_198 : vector<64x128xf32>
    %swap3A_200 = arith.constant 10 : index
    %swap3A_201 = arith.constant 0 : index
    %swap3A_202 = arith.constant 0 : index
    %swap3A_203 = vector.load %arg2[%swap3A_200, %swap3A_201, %swap3A_202] : memref<12x64x128xf32, #tpu.memory_space<vmem>>, vector<1x64x128xf32>
    %swap3A_204 = vector.shape_cast %swap3A_203 : vector<1x64x128xf32> to vector<64x128xf32>
    %swap3A_205 = vector.shape_cast %add3A_199 : vector<64x128xf32> to vector<1x64x128xf32>
    tpu.vector_store %arg2[%swap3A_200, %swap3A_201, %swap3A_202], %swap3A_205 {strides = array<i32>} : memref<12x64x128xf32, #tpu.memory_space<vmem>>, vector<1x64x128xf32>,
    %mul3A_206 = arith.mulf %select_n3A_154, %get3A_13 : vector<64x128xf32>
    %mul3A_207 = arith.mulf %get3A_18, %get3A_8 : vector<64x128xf32>
    %mul3A_208 = arith.mulf %get3A_23, %get3A_3 : vector<64x128xf32>
    %sub3A_209 = arith.subf %mul3A_207, %mul3A_208 : vector<64x128xf32>
    %mul3A_210 = arith.mulf %select_n3A_161, %sub3A_209 : vector<64x128xf32>
    %add3A_211 = arith.addf %mul3A_206, %mul3A_210 : vector<64x128xf32>
    %mul3A_212 = arith.mulf %select_n3A_170, %add3A_175 : vector<64x128xf32>
    %mul3A_213 = arith.mulf %mul3A_212, %get3A_28 : vector<64x128xf32>
    %add3A_214 = arith.addf %add3A_211, %mul3A_213 : vector<64x128xf32>
    %swap3A_215 = arith.constant 11 : index
    %swap3A_216 = arith.constant 0 : index
    %swap3A_217 = arith.constant 0 : index
    %swap3A_218 = vector.load %arg2[%swap3A_215, %swap3A_216, %swap3A_217] : memref<12x64x128xf32, #tpu.memory_space<vmem>>, vector<1x64x128xf32>
    %swap3A_219 = vector.shape_cast %swap3A_218 : vector<1x64x128xf32> to vector<64x128xf32>
    %swap3A_220 = vector.shape_cast %add3A_214 : vector<64x128xf32> to vector<1x64x128xf32>
    tpu.vector_store %arg2[%swap3A_215, %swap3A_216, %swap3A_217], %swap3A_220 {strides = array<i32>} : memref<12x64x128xf32, #tpu.memory_space<vmem>>, vector<1x64x128xf32>,
    return
  }
  func.func @transform_0(%arg0: i32) -> (i32, i32, i32) {
    %c0_i32 = arith.constant 0 : i32
    %c0_i32_0 = arith.constant 0 : i32
    %c0_i32_1 = arith.constant 0 : i32
    return %c0_i32, %arg0, %c0_i32_0 : i32, i32, i32
  }
  func.func @transform_1(%arg0: i32) -> (i32, i32, i32) {
    %c0_i32 = arith.constant 0 : i32
    %c0_i32_0 = arith.constant 0 : i32
    %c0_i32_1 = arith.constant 0 : i32
    return %c0_i32, %arg0, %c0_i32_0 : i32, i32, i32
  }
}

</mosaic_0001>

<sc_bundles>
// kernel: kernel.4.cloned.1.call-start
scs
__scs_entry_jumppad:
0x0: {  	(pc) =	sbr.rel $0x88, $3  }
0x1: {  	(tag) =	ssettag $0x0;
	lr =	simm.s32 $0x1  }
0x2: {  	[smem:$0x3F9F] =	sst lr;
	_ =	strace $0xD0000000  }
0x3: {  	_ = 	snop  }
0x4: {  	_ = 	snop  }
0x5: {  	_ = 	snop  }
0x6: {  	_ = 	snop  }
0x7: {  	_ = 	snop  }
__scs_overlays_trampoline_lowered:
0x8: {  	[smem:$0x3FAE] =	sst s0  }
0x9: {  	[smem:$0x3FAF] =	sst s1  }
0xa: {  	[smem:$0x3FB0] =	sst s2  }
0xb: {  	[smem:$0x3FB1] =	sst s3  }
0xc: {  	[smem:$0x3FB2] =	sst s4  }
0xd: {  	[smem:$0x3FB3] =	sst s5  }
0xe: {  	[smem:$0x3FB4] =	sst s6  }
0xf: {  	[smem:$0x3FB5] =	sst s7  }
0x10: {  	[smem:$0x3FB6] =	sst s8  }
0x11: {  	[smem:$0x3FB7] =	sst s9;
	s0 =	simm.s32 @!p0 $0x0  }
0x12: {  	s1 =	sld [smem:$0x3F9D];
	s0 =	simm.s32 @p0 $0x1  }
0x13: {  	[smem:$0x3FB8] =	sst s0;
	s0 =	simm.s32 @!p1 $0x0  }
0x14: {  	s2 =	sld [smem:$0x3F9C];
	s0 =	simm.s32 @p1 $0x1  }
0x15: {  	[smem:$0x3FB9] =	sst s0;
	s0 =	simm.s32 @!p2 $0x0  }
0x16: {  	s3 =	sld [smem:$0x3FDB];
	s0 =	simm.s32 @p2 $0x1  }
0x17: {  	s4 =	simm.s32 $0x1BF5;
	[smem:$0x3FBB] =	sst s0  }
0x18: {  	s0 =	sld [smem:$0x3F9E];
	_ =	swait.ge [sflag:s4], $0x0  }
0x19: {  	s7 =	sld [smem:$0x3F9F]  }
0x1a: {  	s8 =	sadd.s32 $0xFFFFE003, lr  }
0x1b: {  	s9 =	sadd.s32 $0xFFFFFEF7, lr;
	s5 =	simm.s32 $0xFFFFFFFF;
	p2 =	slt.u32 s8, $0xFFFFF086  }
0x1c: {  	p1 =	slt.u32 s9, $0xF7A;
	s5 =	simm.s32 @!p2 $0x0  }
0x1d: {  	s5 =	simm.s32 @p1 $0x1;
	p0 =	seq.s32 s7, s2  }
0x1e: {  	s7 =	smul.u32 @!p0 $0xF7A, s2;
	p2 =	seq.s32 @!p0 s5, $0x0  }
0x1f: {  	s9 =	smul.u32 $0xF7A, s1;
	s8 =	simm.s32 @!p0 $0x1BF5;
	p2 =	por !p2, p0  }
0x20: {  	[sflag:s8] =	ssyncset.s32 @!p0 $0xFFFFF086;
	s6 =	sadd.s32 @!p0 s3, s7;
	s7 =	simm.s32 @!p0 $0x108  }
0x21: {  	s3 =	sadd.s32 s3, s9;
	s6 =	sadd.s32 @!p0 $0x88, s6;
	s7 =	simm.s32 @p2 $0x1082  }
0x22: {  	[simem:s7], [sflag:s8] =	dma.local @!p0 [hbm:s6], $0xF7A  }
0x23: {  	s9 =	sor.u32 $0xD0000000, s2;
	s6 =	simm.s32 $0x108;
	_ =	swait.ge @!p0 [sflag:s8], $0x0  }
0x24: {  	s3 =	sadd.s32 $0x88, s3;
	s6 =	simm.s32 @!p1 $0x1082;
	[sflag:s4] =	ssyncset.s32 $0xFFFFF086  }
0x25: {  	[simem:s6], [sflag:s4] =	dma.local [hbm:s3], $0xF7A  }
0x26: {  	[smem:$0x3F9F] =	sst s1;
	(tag) =	ssettag s2;
	_ =	strace s9  }
0x27: {  	s1 =	sld [smem:$0x3FAF]  }
0x28: {  	s2 =	sld [smem:$0x3FB0]  }
0x29: {  	s4 =	sld [smem:$0x3FB2]  }
0x2a: {  	p0 =	seq.s32 s5, $0x0;
	s5 =	sld [smem:$0x3FB3]  }
0x2b: {  	s6 =	sld [smem:$0x3FB4]  }
0x2c: {  	s7 =	sld [smem:$0x3FB5]  }
0x2d: {  	s3 =	simm.s32 $0x108;
	s8 =	sld [smem:$0x3FB6]  }
0x2e: {  	s3 =	simm.s32 @!p0 $0x1082;
	s9 =	sld [smem:$0x3FB7]  }
0x2f: {  	lr =	sadd.s32 s0, s3;
	s0 =	sld [smem:$0x3FAE]  }
0x30: {  	s3 =	sld [smem:$0x3FB1]  }
0x31: {  	[smem:$0x3FBA] =	sst s10  }
0x32: {  	s10 =	sld [smem:$0x3FB8];
	_ =	sdelay $0x3  }
0x33: {  	p0 =	seq.s32 s10, $0x1;
	s10 =	sld [smem:$0x3FBA];
	_ =	sdelay $0x3  }
0x34: {  	[smem:$0x3FBA] =	sst s10  }
0x35: {  	s10 =	sld [smem:$0x3FB9];
	_ =	sdelay $0x3  }
0x36: {  	p1 =	seq.s32 s10, $0x1;
	s10 =	sld [smem:$0x3FBA];
	_ =	sdelay $0x3  }
0x37: {  	[smem:$0x3FBA] =	sst s10  }
0x38: {  	s10 =	sld [smem:$0x3FBB]  }
0x39: {  	_ = 	snop;
	(pc) =	sbr.ind lr, $3  }
0x3a: {  	_ = 	snop  }
0x3b: {  	_ = 	snop  }
0x3c: {  	p2 =	seq.s32 s10, $0x1;
	s10 =	sld [smem:$0x3FBA]  }
0x3d: {  	_ =	shalt  }
0x3e: {  	_ =	shalt  }
0x3f: {  	_ =	shalt  }
0x40: {  	_ =	shalt  }
0x41: {  	_ =	shalt  }
0x42: {  	_ =	shalt  }
0x43: {  	_ =	shalt  }
0x44: {  	_ =	shalt  }
0x45: {  	_ =	shalt  }
0x46: {  	_ =	shalt  }
0x47: {  	_ =	shalt  }
0x48: {  	_ =	shalt  }
0x49: {  	_ =	shalt  }
0x4a: {  	_ =	shalt  }
0x4b: {  	_ =	shalt  }
0x4c: {  	_ =	shalt  }
0x4d: {  	_ =	shalt  }
0x4e: {  	_ =	shalt  }
0x4f: {  	_ =	shalt  }
0x50: {  	_ =	shalt  }
0x51: {  	_ =	shalt  }
0x52: {  	_ =	shalt  }
0x53: {  	_ =	shalt  }
0x54: {  	_ =	shalt  }
0x55: {  	_ =	shalt  }
0x56: {  	_ =	shalt  }
0x57: {  	_ =	shalt  }
0x58: {  	_ =	shalt  }
0x59: {  	_ =	shalt  }
0x5a: {  	_ =	shalt  }
0x5b: {  	_ =	shalt  }
0x5c: {  	_ =	shalt  }
0x5d: {  	_ =	shalt  }
0x5e: {  	_ =	shalt  }
0x5f: {  	_ =	shalt  }
0x60: {  	_ =	shalt  }
0x61: {  	_ =	shalt  }
0x62: {  	_ =	shalt  }
0x63: {  	_ =	shalt  }
0x64: {  	_ =	shalt  }
0x65: {  	_ =	shalt  }
0x66: {  	_ =	shalt  }
0x67: {  	_ =	shalt  }
0x68: {  	_ =	shalt  }
0x69: {  	_ =	shalt  }
0x6a: {  	_ =	shalt  }
0x6b: {  	_ =	shalt  }
0x6c: {  	_ =	shalt  }
0x6d: {  	_ =	shalt  }
0x6e: {  	_ =	shalt  }
0x6f: {  	_ =	shalt  }
0x70: {  	_ =	shalt  }
0x71: {  	_ =	shalt  }
0x72: {  	_ =	shalt  }
0x73: {  	_ =	shalt  }
0x74: {  	_ =	shalt  }
0x75: {  	_ =	shalt  }
0x76: {  	_ =	shalt  }
0x77: {  	_ =	shalt  }
0x78: {  	_ =	shalt  }
0x79: {  	_ =	shalt  }
0x7a: {  	_ =	shalt  }
0x7b: {  	_ =	shalt  }
0x7c: {  	_ =	shalt  }
0x7d: {  	_ =	shalt  }
0x7e: {  	_ =	shalt  }
0x7f: {  	_ =	shalt  }
0x80: {  	_ =	shalt  }
0x81: {  	_ =	shalt  }
0x82: {  	_ =	shalt  }
0x83: {  	_ =	shalt  }
0x84: {  	_ =	shalt  }
0x85: {  	_ =	shalt  }
0x86: {  	_ =	shalt  }
0x87: {  	_ =	shalt  }
.Lfunc_end0:
.L_simem_size_0:
called_computation_lowered:
.L_overlay_start_0:
0x88: {  	s2 =	sld [smem:$0x3FD9]  }
0x89: {  	s3 =	sld [smem:$0x3FFE];
	_ =	sdelay $0x1  }
0x8a: {  	s1 =	srdreg.scid  }
0x8b: {  	s0 =	sand.u32 $0x1, s1  }
0x8c: {  	s17 =	sshll.u32 s0, $0xA;
	s2 =	sadd.s32 s3, s2  }
0x8d: {  	s2 =	sadd.s32 s2, s17  }
0x8e: {  	[smem:$0x3FC6] =	sst s2  }
0x8f: {  	_ = 	snop  }
0x90: {  	s2 =	sld [smem:$0x3FC9]  }
0x91: {  	s18 =	sld [smem:$0x3FD0];
	(tm) =	ssettm $0x1  }
0x92: {  	s4 =	sld [smem:$0x3FFB];
	_ =	sdelay $0x3  }
0x93: {  	_ =	strace s4  }
0x94: {  	s4 =	sld [smem:$0x3FFC];
	_ =	sdelay $0x3  }
0x95: {  	_ =	strace s4  }
0x96: {  	s4 =	sld [smem:$0x3FFD];
	_ =	sdelay $0x3  }
0x97: {  	_ =	strace s4  }
0x98: {  	_ =	strace $0x8FFFFFFF  }
0x99: {  	s19 =	sld [smem:$0x3FDB];
	_ =	sdelay $0x1  }
0x9a: {  	s5 =	simm.s32 $_scs_section_size  }
0x9b: {  	s6 =	simm.s32 $_size__tile_overlayer_lowered;
	s7 =	simm.s32 $_tile_overlayer_lowered  }
0x9c: {  	s22 =	simm.s32 $0x1BFF;
	s21 =	sshll.u32 s7, $0x1;
	s4 =	sadd.s32 s5, s19  }
0x9d: {  	s8 =	simm.s32 $0x0;
	s20 =	sshll.u32 s6, $0x1;
	s6 =	sadd.s32 s21, s4  }
0x9e: {  	[timem:s8], [sflag:s22] =	dma.local [hbm:s6], s20  }
0x9f: {  	_ =	swait.ge [sflag:s22], s20  }
0xa0: {  	s5 =	ssub.s32 $0x0, s20;
	[sflag:s22] =	ssyncset.done $0x0  }
0xa1: {  	[sflag:s22] =	ssyncadd.s32 s5;
	_ =	sdelay $0x1  }
0xa2: {  	s23 =	simm.s32 $0x1B8B  }
0xa3: {  	_ =	swait.ge [sflag:s23], $0x1  }
0xa4: {  	[sflag:s23] =	ssyncset.done $0x0  }
0xa5: {  	s25 =	simm.s32 $0x1B8E;
	s24 =	sld [smem:$0x3FFE];
	[sflag:s23] =	ssyncadd.s32 $0xFFFFFFFF  }
0xa6: {  	s26 =	simm.s32 $execute0_lowered;
	[smem:$0x3FD2] =	sst s25  }
0xa7: {  	s6 =	sshll.u32 s26, $0x1;
	_ =	strace $0x80000046;
	[dreg:$0x1] =	wrdreg $0xFFFFFFFF  }
0xa8: {  	s28 =	simm.s32 $_size_execute0_lowered;
	s4 =	sadd.s32 s4, s6;
	[dreg:$0x0] =	wrdreg $0x0  }
0xa9: {  	s6 =	sshll.u32 s28, $0x1;
	[dreg:$0x2] =	wrdreg s4  }
0xaa: {  	[dreg:$0x3] =	wrdreg s6  }
0xab: {  	[dreg:$0x4] =	wrdreg $0xC0  }
0xac: {  	_ =	task [dreg:s8], $0x5FFFF  }
0xad: {  	[dreg:$0x1] =	wrdreg $0xFFFFFFFF  }
0xae: {  	[dreg:$0x0] =	wrdreg $0x60  }
0xaf: {  	[dreg:$0x2] =	wrdreg s24  }
0xb0: {  	[dreg:$0x3] =	wrdreg s2  }
0xb1: {  	[dreg:$0x4] =	wrdreg s18  }
0xb2: {  	[dreg:$0x5] =	wrdreg $0x9  }
0xb3: {  	_ =	task.clear_ibuf [dreg:s8], $0x6FFFF;
	_ =	strace $0x90000046  }
0xb4: {  	s29 =	simm.s32 $0x9;
	_ =	strace $0x80000048  }
0xb5: {  	_ =	swait.ge [sflag:s29], $0x1  }
0xb6: {  	[sflag:s29] =	ssyncadd.s32 $0xFFFFFFFF  }
0xb7: {  	_ =	strace $0x90000048  }
0xb8: {  	_ =	sfence  }
0xb9: {  	s30 =	sld [smem:$0x0];
	_ =	sdelay $0x2  }
0xba: {  	s31 =	sshll.u32 s1, $0xD;
	s1 =	sshrl.u32 s1, $0x2  }
0xbb: {  	s3 =	sand.u32 $0x4000, s31;
	s1 =	sadd.s32 s1, s30  }
0xbc: {  	s0 =	sor.u32 s3, s0;
	s1 =	sshll.u32 s1, $0x11  }
0xbd: {  	s0 =	sor.u32 s1, s0  }
0xbe: {  	s0 =	sadd.s32 $0x8F2B, s0  }
0xbf: {  	[sflag:s0] =	ssyncadd.remote.s32 $0x1  }
0xc0: {  	_ =	sfence.sel $0xFFFF  }
0xc1: {  	[dreg:$0x0] =	wrdreg $0xFFFFFFFF;
	(pc) =	sbr.abs _section_cstart, $3  }
0xc2: {  	[dreg:$0x1] =	wrdreg $0xFFFFFFFF  }
0xc3: {  	_ =	task.clear_ibuf [dreg:s8], $0x2FFFF;
	_ =	strace $0x9FFFFFFF  }
0xc4: {  	(tm) =	ssettm $0x7FFFFFFF  }
0xc5: {  	_ =	shalt  }
tec
execute0_lowered:
.L_overlay_start_1:
0x0: {  	(tag) =	ssettag $0x1  }
0x1: {  	s0 =	rddreg [dreg:$0x0]  }
0x2: {  	s1 =	rddreg [dreg:$0x1]  }
0x3: {  	s3 =	rddreg [dreg:$0x2]  }
0x4: {  	s21 =	rddreg [dreg:$0x3]  }
0x5: {  	s4 =	srdreg.scid;
	s2 =	simm.s32 $0x0;
	s5 =	stileid.u32  }
0x6: {  	s25 =	simm.s32 $0x280;
	s26 =	simm.s32 $0x300;
	s31 =	simm.s32 $0x3  }
0x7: {  	s11 =	simm.s32 $0x200;
	s10 =	simm.s32 $0x400;
	s9 =	simm.s32 $0x600  }
0x8: {  	s8 =	simm.s32 $0x800;
	s28 =	simm.s32 $0xB80;
	p0 =	por $0x0, $0x0  }
0x9: {  	s29 =	simm.s32 $0xC80;
	s30 =	simm.s32 $0xD00;
	s4 =	sand.u32 $0x1, s4  }
0xa: {  	[smem:$0x7FF] =	sst s2;
	s5 =	sshll.u32 s5, $0x7;
	s14 =	sadd.s32 $0x600, s0  }
0xb: {  	s17 =	sadd.s32 $0x36D4, s0;
	s16 =	sadd.s32 $0x67A8, s0;
	s15 =	sadd.s32 $0x987C, s0  }
0xc: {  	s13 =	sadd.s32 $0xC950, s0;
	s12 =	sadd.s32 $0xFA24, s0;
	s6 =	sshll.u32 s4, $0x6  }
0xd: {  	_ =	strace $0x80000047;
	s18 =	ssub.s32 $0x2, s4;
	[dreg:$0xa] =	wrdreg s25  }
0xe: {  	[dreg:$0xb] =	wrdreg s26;
	s25 =	simm.s32 $0x700;
	s26 =	simm.s32 $0x780  }
0xf: {  	s5 =	sor.u32 s6, s5;
	s4 =	sshrl.u32 s18, $0x1;
	[dreg:$0x11] =	wrdreg s25  }
0x10: {  	[dreg:$0x12] =	wrdreg s26;
	s1 =	sadd.s32 s1, s5;
	s7 =	sadd.s32 s3, s5  }
0x11: {  	s3 =	ssub.s32 s18, s4;
	s4 =	simm.s32 $0x380;
	[dreg:$0x4] =	wrdreg s1  }
0x12: {  	s6 =	simm.s32 $0xA00;
	s19 =	sadd.s32 $0x800, s7;
	[dreg:$0xc] =	wrdreg s4  }
0x13: {  	s25 =	simm.s32 $0xA80;
	s20 =	sadd.s32 $0x1000, s7;
	[dreg:$0x5] =	wrdreg s19  }
0x14: {  	s26 =	simm.s32 $0xB00;
	s22 =	sadd.s32 $0x1800, s7;
	[dreg:$0x6] =	wrdreg s20  }
0x15: {  	s18 =	simm.s32 $0x80;
	s23 =	sadd.s32 $0x2000, s7;
	[dreg:$0x7] =	wrdreg s22  }
0x16: {  	s24 =	sadd.s32 $0x2800, s7;
	s5 =	smax.u32 s3, $0x1;
	[dreg:$0x8] =	wrdreg s23  }
0x17: {  	s4 =	simm.s32 $0xC00;
	s3 =	simm.s32 $0x2;
	[dreg:$0x9] =	wrdreg s24  }
0x18: {  	s20 =	simm.s32 $0x480;
	p1 =	sne.s32 s5, $0x1;
	s1 =	rddreg [dreg:$0x4]  }
.Ltmp0:
0x19: {  	s22 =	simm.s32 $0x500;
	[dreg:$0xd] =	wrdreg s20;
	(pc) =	sbr.rel @!p1 .LBB2_1-.Ltmp0, $4  }
0x1a: {  	s23 =	simm.s32 $0x580;
	s24 =	simm.s32 $0x680;
	[dreg:$0xe] =	wrdreg s22  }
0x1b: {  	s19 =	simm.s32 $0x100;
	s0 =	sadd.s32 $0xFFFFFFFF, s5;
	[dreg:$0xf] =	wrdreg s23  }
0x1c: {  	s5 =	simm.s32 $0x1;
	[dreg:$0x10] =	wrdreg s24;
	s20 =	simm.s32 $0x180  }
0x1d: {  	s23 =	simm.s32 $0x900;
	s24 =	simm.s32 $0x980;
	s22 =	simm.s32 $0xD80  }
0x1e: {  	[tilespmem:s2], [sflag:$0x3] =	stream.linear.gather [hbm4b:s1+s2], $0x200, $0x38;
	[tilespmem:$0xE00] =	vst v63  }
0x1f: {  	_ =	swait.ge [sflag:s31], $0x200  }
0x20: {  	[sflag:s31] =	ssyncset.done $0x0  }
0x21: {  	[sflag:s31] =	ssyncadd.s32 $0xFFFFFE00  }
0x22: {  	[tilespmem:s11], [sflag:$0x1] =	stream.indirect.gather [hbm4b:s14+s18], $0x1, s2, s18, $0xb8;
	[tilespmem:$0xE00] =	vst v63  }
0x23: {  	s1 =	rddreg [dreg:$0xa]  }
0x24: {  	[tilespmem:s1], [sflag:$0x1] =	stream.indirect.gather [hbm4b:s14+s18], $0x1, s18, s18, $0xb8;
	[tilespmem:$0xE00] =	vst v63  }
0x25: {  	s21 =	smov.u32 s0;
	s0 =	rddreg [dreg:$0xb]  }
0x26: {  	[tilespmem:s0], [sflag:$0x1] =	stream.indirect.gather [hbm4b:s14+s18], $0x1, s19, s18, $0xb8;
	[tilespmem:$0xE00] =	vst v63  }
0x27: {  	s1 =	rddreg [dreg:$0xc]  }
0x28: {  	[tilespmem:s1], [sflag:$0x1] =	stream.indirect.gather [hbm4b:s14+s18], $0x1, s20, s18, $0xb8;
	[tilespmem:$0xE00] =	vst v63  }
0x29: {  	_ = 	snop  }
0x2a: {  	[tilespmem:s10], [sflag:$0x1] =	stream.indirect.gather [hbm4b:s17+s18], $0x1, s2, s18, $0xb8;
	[tilespmem:$0xE00] =	vst v63  }
0x2b: {  	s0 =	rddreg [dreg:$0xd]  }
0x2c: {  	[tilespmem:s0], [sflag:$0x1] =	stream.indirect.gather [hbm4b:s17+s18], $0x1, s18, s18, $0xb8;
	[tilespmem:$0xE00] =	vst v63  }
0x2d: {  	s1 =	rddreg [dreg:$0xe]  }
0x2e: {  	[tilespmem:s1], [sflag:$0x1] =	stream.indirect.gather [hbm4b:s17+s18], $0x1, s19, s18, $0xb8;
	[tilespmem:$0xE00] =	vst v63  }
0x2f: {  	s0 =	rddreg [dreg:$0xf]  }
0x30: {  	[tilespmem:s0], [sflag:$0x1] =	stream.indirect.gather [hbm4b:s17+s18], $0x1, s20, s18, $0xb8;
	[tilespmem:$0xE00] =	vst v63  }
0x31: {  	_ = 	snop  }
0x32: {  	[tilespmem:s9], [sflag:$0x1] =	stream.indirect.gather [hbm4b:s16+s18], $0x1, s2, s18, $0xb8;
	[tilespmem:$0xE00] =	vst v63  }
0x33: {  	s0 =	rddreg [dreg:$0x10]  }
0x34: {  	[tilespmem:s0], [sflag:$0x1] =	stream.indirect.gather [hbm4b:s16+s18], $0x1, s18, s18, $0xb8;
	[tilespmem:$0xE00] =	vst v63  }
0x35: {  	s1 =	rddreg [dreg:$0x11]  }
0x36: {  	[tilespmem:s1], [sflag:$0x1] =	stream.indirect.gather [hbm4b:s16+s18], $0x1, s19, s18, $0xb8;
	[tilespmem:$0xE00] =	vst v63  }
0x37: {  	s0 =	rddreg [dreg:$0x12]  }
0x38: {  	[tilespmem:s0], [sflag:$0x1] =	stream.indirect.gather [hbm4b:s16+s18], $0x1, s20, s18, $0xb8;
	[tilespmem:$0xE00] =	vst v63  }
0x39: {  	_ = 	snop  }
0x3a: {  	[tilespmem:s8], [sflag:$0x1] =	stream.indirect.gather [hbm4b:s15+s18], $0x1, s2, s18, $0xb8;
	[tilespmem:$0xE00] =	vst v63  }
0x3b: {  	s1 =	simm.s32 $0x880  }
0x3c: {  	[tilespmem:s1], [sflag:$0x1] =	stream.indirect.gather [hbm4b:s15+s18], $0x1, s18, s18, $0xb8;
	[tilespmem:$0xE00] =	vst v63  }
0x3d: {  	_ = 	snop  }
0x3e: {  	[tilespmem:s23], [sflag:$0x1] =	stream.indirect.gather [hbm4b:s15+s18], $0x1, s19, s18, $0xb8;
	[tilespmem:$0xE00] =	vst v63  }
0x3f: {  	_ = 	snop  }
0x40: {  	[tilespmem:s24], [sflag:$0x1] =	stream.indirect.gather [hbm4b:s15+s18], $0x1, s20, s18, $0xb8;
	[tilespmem:$0xE00] =	vst v63  }
0x41: {  	_ = 	snop  }
0x42: {  	[tilespmem:s6], [sflag:$0x1] =	stream.indirect.gather [hbm4b:s13+s18], $0x1, s2, s18, $0xb8;
	[tilespmem:$0xE00] =	vst v63  }
0x43: {  	_ = 	snop  }
0x44: {  	[tilespmem:s25], [sflag:$0x1] =	stream.indirect.gather [hbm4b:s13+s18], $0x1, s18, s18, $0xb8;
	[tilespmem:$0xE00] =	vst v63  }
0x45: {  	_ = 	snop  }
0x46: {  	[tilespmem:s26], [sflag:$0x1] =	stream.indirect.gather [hbm4b:s13+s18], $0x1, s19, s18, $0xb8;
	[tilespmem:$0xE00] =	vst v63  }
0x47: {  	_ = 	snop  }
0x48: {  	[tilespmem:s28], [sflag:$0x1] =	stream.indirect.gather [hbm4b:s13+s18], $0x1, s20, s18, $0xb8;
	[tilespmem:$0xE00] =	vst v63  }
0x49: {  	_ = 	snop  }
0x4a: {  	[tilespmem:s4], [sflag:$0x1] =	stream.indirect.gather [hbm4b:s12+s18], $0x1, s2, s18, $0xb8;
	[tilespmem:$0xE00] =	vst v63  }
0x4b: {  	_ = 	snop  }
0x4c: {  	[tilespmem:s29], [sflag:$0x1] =	stream.indirect.gather [hbm4b:s12+s18], $0x1, s18, s18, $0xb8;
	[tilespmem:$0xE00] =	vst v63  }
0x4d: {  	_ = 	snop  }
0x4e: {  	[tilespmem:s30], [sflag:$0x1] =	stream.indirect.gather [hbm4b:s12+s18], $0x1, s19, s18, $0xb8;
	[tilespmem:$0xE00] =	vst v63  }
0x4f: {  	_ = 	snop  }
0x50: {  	[tilespmem:s22], [sflag:$0x1] =	stream.indirect.gather [hbm4b:s12+s18], $0x1, s20, s18, $0xb8;
	[tilespmem:$0xE00] =	vst v63  }
0x51: {  	_ =	swait.ge [sflag:s5], $0x80  }
0x52: {  	[sflag:s5] =	ssyncset.done $0x0  }
0x53: {  	[sflag:s5] =	ssyncadd.s32 $0xFFFFFF80  }
0x54: {  	_ =	swait.ge [sflag:s5], $0x80  }
0x55: {  	[sflag:s5] =	ssyncset.done $0x0  }
0x56: {  	[sflag:s5] =	ssyncadd.s32 $0xFFFFFF80  }
0x57: {  	_ =	swait.ge [sflag:s5], $0x80  }
0x58: {  	[sflag:s5] =	ssyncset.done $0x0  }
0x59: {  	[sflag:s5] =	ssyncadd.s32 $0xFFFFFF80  }
0x5a: {  	_ =	swait.ge [sflag:s5], $0x80  }
0x5b: {  	[sflag:s5] =	ssyncset.done $0x0  }
0x5c: {  	[sflag:s5] =	ssyncadd.s32 $0xFFFFFF80  }
0x5d: {  	[hbm4b:s7+s2] =	stream.linear.scatter [tilespmem:s11], [sflag:$0x2], $0x200, $0x38;
	[tilespmem:$0xE00] =	vst v63  }
0x5e: {  	_ =	swait.ge [sflag:s5], $0x80  }
0x5f: {  	[sflag:s5] =	ssyncset.done $0x0  }
0x60: {  	[sflag:s5] =	ssyncadd.s32 $0xFFFFFF80  }
0x61: {  	_ =	swait.ge [sflag:s5], $0x80  }
0x62: {  	[sflag:s5] =	ssyncset.done $0x0  }
0x63: {  	[sflag:s5] =	ssyncadd.s32 $0xFFFFFF80  }
0x64: {  	_ =	swait.ge [sflag:s5], $0x80  }
0x65: {  	[sflag:s5] =	ssyncset.done $0x0  }
0x66: {  	[sflag:s5] =	ssyncadd.s32 $0xFFFFFF80  }
0x67: {  	_ =	swait.ge [sflag:s5], $0x80  }
0x68: {  	[sflag:s5] =	ssyncset.done $0x0  }
0x69: {  	s1 =	rddreg [dreg:$0x5];
	[sflag:s5] =	ssyncadd.s32 $0xFFFFFF80  }
0x6a: {  	[hbm4b:s1+s2] =	stream.linear.scatter [tilespmem:s10], [sflag:$0x2], $0x200, $0x38;
	[tilespmem:$0xE00] =	vst v63  }
0x6b: {  	_ =	swait.ge [sflag:s5], $0x80  }
0x6c: {  	[sflag:s5] =	ssyncset.done $0x0  }
0x6d: {  	[sflag:s5] =	ssyncadd.s32 $0xFFFFFF80  }
0x6e: {  	_ =	swait.ge [sflag:s5], $0x80  }
0x6f: {  	[sflag:s5] =	ssyncset.done $0x0  }
0x70: {  	[sflag:s5] =	ssyncadd.s32 $0xFFFFFF80  }
0x71: {  	_ =	swait.ge [sflag:s5], $0x80  }
0x72: {  	[sflag:s5] =	ssyncset.done $0x0  }
0x73: {  	[sflag:s5] =	ssyncadd.s32 $0xFFFFFF80  }
0x74: {  	_ =	swait.ge [sflag:s5], $0x80  }
0x75: {  	[sflag:s5] =	ssyncset.done $0x0  }
0x76: {  	s1 =	rddreg [dreg:$0x6];
	[sflag:s5] =	ssyncadd.s32 $0xFFFFFF80  }
0x77: {  	[hbm4b:s1+s2] =	stream.linear.scatter [tilespmem:s9], [sflag:$0x2], $0x200, $0x38;
	[tilespmem:$0xE00] =	vst v63  }
0x78: {  	_ =	swait.ge [sflag:s5], $0x80  }
0x79: {  	[sflag:s5] =	ssyncset.done $0x0  }
0x7a: {  	[sflag:s5] =	ssyncadd.s32 $0xFFFFFF80  }
0x7b: {  	_ =	swait.ge [sflag:s5], $0x80  }
0x7c: {  	[sflag:s5] =	ssyncset.done $0x0  }
0x7d: {  	[sflag:s5] =	ssyncadd.s32 $0xFFFFFF80  }
0x7e: {  	_ =	swait.ge [sflag:s5], $0x80  }
0x7f: {  	[sflag:s5] =	ssyncset.done $0x0  }
0x80: {  	[sflag:s5] =	ssyncadd.s32 $0xFFFFFF80  }
0x81: {  	_ =	swait.ge [sflag:s5], $0x80  }
0x82: {  	[sflag:s5] =	ssyncset.done $0x0  }
0x83: {  	s1 =	rddreg [dreg:$0x7];
	[sflag:s5] =	ssyncadd.s32 $0xFFFFFF80  }
0x84: {  	[hbm4b:s1+s2] =	stream.linear.scatter [tilespmem:s8], [sflag:$0x2], $0x200, $0x38;
	[tilespmem:$0xE00] =	vst v63  }
0x85: {  	_ =	swait.ge [sflag:s5], $0x80  }
0x86: {  	[sflag:s5] =	ssyncset.done $0x0  }
0x87: {  	[sflag:s5] =	ssyncadd.s32 $0xFFFFFF80  }
0x88: {  	_ =	swait.ge [sflag:s5], $0x80  }
0x89: {  	[sflag:s5] =	ssyncset.done $0x0  }
0x8a: {  	[sflag:s5] =	ssyncadd.s32 $0xFFFFFF80  }
0x8b: {  	_ =	swait.ge [sflag:s5], $0x80  }
0x8c: {  	[sflag:s5] =	ssyncset.done $0x0  }
0x8d: {  	[sflag:s5] =	ssyncadd.s32 $0xFFFFFF80  }
0x8e: {  	_ =	swait.ge [sflag:s5], $0x80  }
0x8f: {  	[sflag:s5] =	ssyncset.done $0x0  }
0x90: {  	s1 =	rddreg [dreg:$0x8];
	[sflag:s5] =	ssyncadd.s32 $0xFFFFFF80  }
0x91: {  	[hbm4b:s1+s2] =	stream.linear.scatter [tilespmem:s6], [sflag:$0x2], $0x200, $0x38;
	[tilespmem:$0xE00] =	vst v63  }
0x92: {  	_ =	swait.ge [sflag:s5], $0x80  }
0x93: {  	[sflag:s5] =	ssyncset.done $0x0  }
0x94: {  	[sflag:s5] =	ssyncadd.s32 $0xFFFFFF80  }
0x95: {  	_ =	swait.ge [sflag:s5], $0x80  }
0x96: {  	[sflag:s5] =	ssyncset.done $0x0  }
0x97: {  	[sflag:s5] =	ssyncadd.s32 $0xFFFFFF80  }
0x98: {  	_ =	swait.ge [sflag:s5], $0x80  }
0x99: {  	[sflag:s5] =	ssyncset.done $0x0  }
0x9a: {  	[sflag:s5] =	ssyncadd.s32 $0xFFFFFF80  }
0x9b: {  	_ =	swait.ge [sflag:s5], $0x80  }
0x9c: {  	[sflag:s5] =	ssyncset.done $0x0  }
0x9d: {  	s1 =	rddreg [dreg:$0x9];
	[sflag:s5] =	ssyncadd.s32 $0xFFFFFF80  }
0x9e: {  	[hbm4b:s1+s2] =	stream.linear.scatter [tilespmem:s4], [sflag:$0x2], $0x200, $0x38;
	[tilespmem:$0xE00] =	vst v63  }
0x9f: {  	_ =	swait.ge [sflag:s3], $0x200  }
0xa0: {  	[sflag:s3] =	ssyncset.done $0x0  }
0xa1: {  	[sflag:s3] =	ssyncadd.s32 $0xFFFFFE00  }
0xa2: {  	_ =	swait.ge [sflag:s3], $0x200  }
0xa3: {  	[sflag:s3] =	ssyncset.done $0x0  }
0xa4: {  	[sflag:s3] =	ssyncadd.s32 $0xFFFFFE00  }
0xa5: {  	_ =	swait.ge [sflag:s3], $0x200  }
0xa6: {  	[sflag:s3] =	ssyncset.done $0x0  }
0xa7: {  	[sflag:s3] =	ssyncadd.s32 $0xFFFFFE00  }
0xa8: {  	_ =	swait.ge [sflag:s3], $0x200  }
0xa9: {  	[sflag:s3] =	ssyncset.done $0x0  }
0xaa: {  	p1 =	sne.s32 s21, $0x1;
	[sflag:s3] =	ssyncadd.s32 $0xFFFFFE00  }
.Ltmp1:
0xab: {  	_ =	swait.ge [sflag:s3], $0x200;
	(pc) =	sbr.rel @!p1 .LBB2_3-.Ltmp1, $4  }
0xac: {  	[sflag:s3] =	ssyncset.done $0x0  }
0xad: {  	[sflag:s3] =	ssyncadd.s32 $0xFFFFFE00  }
0xae: {  	p0 =	por $0x1, $0x1;
	_ =	swait.ge [sflag:s3], $0x200  }
0xaf: {  	s0 =	sadd.s32 $0xFFFFFFFF, s21;
	s1 =	rddreg [dreg:$0x4];
	[sflag:s3] =	ssyncset.done $0x0  }
.LBB2_4:
0xb0: {  	[sflag:s3] =	ssyncadd.s32 $0xFFFFFE00  }
0xb1: {  	[tilespmem:s2], [sflag:$0x3] =	stream.linear.gather [hbm4b:s1+s2], $0x200, $0x38;
	[tilespmem:$0xE00] =	vst v63  }
0xb2: {  	_ =	swait.ge [sflag:s31], $0x200  }
0xb3: {  	[sflag:s31] =	ssyncset.done $0x0  }
0xb4: {  	[sflag:s31] =	ssyncadd.s32 $0xFFFFFE00  }
0xb5: {  	[tilespmem:s11], [sflag:$0x1] =	stream.indirect.gather [hbm4b:s14+s18], $0x1, s2, s18, $0xb8;
	[tilespmem:$0xE00] =	vst v63  }
0xb6: {  	s1 =	rddreg [dreg:$0xa]  }
0xb7: {  	[tilespmem:s1], [sflag:$0x1] =	stream.indirect.gather [hbm4b:s14+s18], $0x1, s18, s18, $0xb8;
	[tilespmem:$0xE00] =	vst v63  }
0xb8: {  	s21 =	rddreg [dreg:$0xb]  }
0xb9: {  	[tilespmem:s21], [sflag:$0x1] =	stream.indirect.gather [hbm4b:s14+s18], $0x1, s19, s18, $0xb8;
	[tilespmem:$0xE00] =	vst v63  }
0xba: {  	s1 =	rddreg [dreg:$0xc]  }
0xbb: {  	[tilespmem:s1], [sflag:$0x1] =	stream.indirect.gather [hbm4b:s14+s18], $0x1, s20, s18, $0xb8;
	[tilespmem:$0xE00] =	vst v63  }
0xbc: {  	_ = 	snop  }
0xbd: {  	[tilespmem:s10], [sflag:$0x1] =	stream.indirect.gather [hbm4b:s17+s18], $0x1, s2, s18, $0xb8;
	[tilespmem:$0xE00] =	vst v63  }
0xbe: {  	s1 =	rddreg [dreg:$0xd]  }
0xbf: {  	[tilespmem:s1], [sflag:$0x1] =	stream.indirect.gather [hbm4b:s17+s18], $0x1, s18, s18, $0xb8;
	[tilespmem:$0xE00] =	vst v63  }
0xc0: {  	s21 =	rddreg [dreg:$0xe]  }
0xc1: {  	[tilespmem:s21], [sflag:$0x1] =	stream.indirect.gather [hbm4b:s17+s18], $0x1, s19, s18, $0xb8;
	[tilespmem:$0xE00] =	vst v63  }
0xc2: {  	s1 =	rddreg [dreg:$0xf]  }
0xc3: {  	[tilespmem:s1], [sflag:$0x1] =	stream.indirect.gather [hbm4b:s17+s18], $0x1, s20, s18, $0xb8;
	[tilespmem:$0xE00] =	vst v63  }
0xc4: {  	_ = 	snop  }
0xc5: {  	[tilespmem:s9], [sflag:$0x1] =	stream.indirect.gather [hbm4b:s16+s18], $0x1, s2, s18, $0xb8;
	[tilespmem:$0xE00] =	vst v63  }
0xc6: {  	s1 =	rddreg [dreg:$0x10]  }
0xc7: {  	[tilespmem:s1], [sflag:$0x1] =	stream.indirect.gather [hbm4b:s16+s18], $0x1, s18, s18, $0xb8;
	[tilespmem:$0xE00] =	vst v63  }
0xc8: {  	s21 =	rddreg [dreg:$0x11]  }
0xc9: {  	[tilespmem:s21], [sflag:$0x1] =	stream.indirect.gather [hbm4b:s16+s18], $0x1, s19, s18, $0xb8;
	[tilespmem:$0xE00] =	vst v63  }
0xca: {  	s1 =	rddreg [dreg:$0x12]  }
0xcb: {  	[tilespmem:s1], [sflag:$0x1] =	stream.indirect.gather [hbm4b:s16+s18], $0x1, s20, s18, $0xb8;
	[tilespmem:$0xE00] =	vst v63  }
0xcc: {  	_ = 	snop  }
0xcd: {  	[tilespmem:s8], [sflag:$0x1] =	stream.indirect.gather [hbm4b:s15+s18], $0x1, s2, s18, $0xb8;
	[tilespmem:$0xE00] =	vst v63  }
0xce: {  	s21 =	simm.s32 $0x880  }
0xcf: {  	[tilespmem:s21], [sflag:$0x1] =	stream.indirect.gather [hbm4b:s15+s18], $0x1, s18, s18, $0xb8;
	[tilespmem:$0xE00] =	vst v63  }
0xd0: {  	_ = 	snop  }
0xd1: {  	[tilespmem:s23], [sflag:$0x1] =	stream.indirect.gather [hbm4b:s15+s18], $0x1, s19, s18, $0xb8;
	[tilespmem:$0xE00] =	vst v63  }
0xd2: {  	_ = 	snop  }
0xd3: {  	[tilespmem:s24], [sflag:$0x1] =	stream.indirect.gather [hbm4b:s15+s18], $0x1, s20, s18, $0xb8;
	[tilespmem:$0xE00] =	vst v63  }
0xd4: {  	_ = 	snop  }
0xd5: {  	[tilespmem:s6], [sflag:$0x1] =	stream.indirect.gather [hbm4b:s13+s18], $0x1, s2, s18, $0xb8;
	[tilespmem:$0xE00] =	vst v63  }
0xd6: {  	_ = 	snop  }
0xd7: {  	[tilespmem:s25], [sflag:$0x1] =	stream.indirect.gather [hbm4b:s13+s18], $0x1, s18, s18, $0xb8;
	[tilespmem:$0xE00] =	vst v63  }
0xd8: {  	_ = 	snop  }
0xd9: {  	[tilespmem:s26], [sflag:$0x1] =	stream.indirect.gather [hbm4b:s13+s18], $0x1, s19, s18, $0xb8;
	[tilespmem:$0xE00] =	vst v63  }
0xda: {  	_ = 	snop  }
0xdb: {  	[tilespmem:s28], [sflag:$0x1] =	stream.indirect.gather [hbm4b:s13+s18], $0x1, s20, s18, $0xb8;
	[tilespmem:$0xE00] =	vst v63  }
0xdc: {  	_ = 	snop  }
0xdd: {  	[tilespmem:s4], [sflag:$0x1] =	stream.indirect.gather [hbm4b:s12+s18], $0x1, s2, s18, $0xb8;
	[tilespmem:$0xE00] =	vst v63  }
0xde: {  	_ = 	snop  }
0xdf: {  	[tilespmem:s29], [sflag:$0x1] =	stream.indirect.gather [hbm4b:s12+s18], $0x1, s18, s18, $0xb8;
	[tilespmem:$0xE00] =	vst v63  }
0xe0: {  	_ = 	snop  }
0xe1: {  	[tilespmem:s30], [sflag:$0x1] =	stream.indirect.gather [hbm4b:s12+s18], $0x1, s19, s18, $0xb8;
	[tilespmem:$0xE00] =	vst v63  }
0xe2: {  	_ = 	snop  }
0xe3: {  	[tilespmem:s22], [sflag:$0x1] =	stream.indirect.gather [hbm4b:s12+s18], $0x1, s20, s18, $0xb8;
	[tilespmem:$0xE00] =	vst v63  }
0xe4: {  	_ =	swait.ge [sflag:s5], $0x80  }
0xe5: {  	[sflag:s5] =	ssyncset.done $0x0  }
0xe6: {  	[sflag:s5] =	ssyncadd.s32 $0xFFFFFF80  }
0xe7: {  	_ =	swait.ge [sflag:s5], $0x80  }
0xe8: {  	[sflag:s5] =	ssyncset.done $0x0  }
0xe9: {  	[sflag:s5] =	ssyncadd.s32 $0xFFFFFF80  }
0xea: {  	_ =	swait.ge [sflag:s5], $0x80  }
0xeb: {  	[sflag:s5] =	ssyncset.done $0x0  }
0xec: {  	[sflag:s5] =	ssyncadd.s32 $0xFFFFFF80  }
0xed: {  	_ =	swait.ge [sflag:s5], $0x80  }
0xee: {  	[sflag:s5] =	ssyncset.done $0x0  }
0xef: {  	[sflag:s5] =	ssyncadd.s32 $0xFFFFFF80  }
0xf0: {  	[hbm4b:s7+s2] =	stream.linear.scatter [tilespmem:s11], [sflag:$0x2], $0x200, $0x38;
	[tilespmem:$0xE00] =	vst v63  }
0xf1: {  	_ =	swait.ge [sflag:s5], $0x80  }
0xf2: {  	[sflag:s5] =	ssyncset.done $0x0  }
0xf3: {  	[sflag:s5] =	ssyncadd.s32 $0xFFFFFF80  }
0xf4: {  	_ =	swait.ge [sflag:s5], $0x80  }
0xf5: {  	[sflag:s5] =	ssyncset.done $0x0  }
0xf6: {  	[sflag:s5] =	ssyncadd.s32 $0xFFFFFF80  }
0xf7: {  	_ =	swait.ge [sflag:s5], $0x80  }
0xf8: {  	[sflag:s5] =	ssyncset.done $0x0  }
0xf9: {  	[sflag:s5] =	ssyncadd.s32 $0xFFFFFF80  }
0xfa: {  	_ =	swait.ge [sflag:s5], $0x80  }
0xfb: {  	[sflag:s5] =	ssyncset.done $0x0  }
0xfc: {  	s21 =	rddreg [dreg:$0x5];
	[sflag:s5] =	ssyncadd.s32 $0xFFFFFF80  }
0xfd: {  	[hbm4b:s21+s2] =	stream.linear.scatter [tilespmem:s10], [sflag:$0x2], $0x200, $0x38;
	[tilespmem:$0xE00] =	vst v63  }
0xfe: {  	_ =	swait.ge [sflag:s5], $0x80  }
0xff: {  	[sflag:s5] =	ssyncset.done $0x0  }
0x100: {  	[sflag:s5] =	ssyncadd.s32 $0xFFFFFF80  }
0x101: {  	_ =	swait.ge [sflag:s5], $0x80  }
0x102: {  	[sflag:s5] =	ssyncset.done $0x0  }
0x103: {  	[sflag:s5] =	ssyncadd.s32 $0xFFFFFF80  }
0x104: {  	_ =	swait.ge [sflag:s5], $0x80  }
0x105: {  	[sflag:s5] =	ssyncset.done $0x0  }
0x106: {  	[sflag:s5] =	ssyncadd.s32 $0xFFFFFF80  }
0x107: {  	_ =	swait.ge [sflag:s5], $0x80  }
0x108: {  	[sflag:s5] =	ssyncset.done $0x0  }
0x109: {  	s21 =	rddreg [dreg:$0x6];
	[sflag:s5] =	ssyncadd.s32 $0xFFFFFF80  }
0x10a: {  	[hbm4b:s21+s2] =	stream.linear.scatter [tilespmem:s9], [sflag:$0x2], $0x200, $0x38;
	[tilespmem:$0xE00] =	vst v63  }
0x10b: {  	_ =	swait.ge [sflag:s5], $0x80  }
0x10c: {  	[sflag:s5] =	ssyncset.done $0x0  }
0x10d: {  	[sflag:s5] =	ssyncadd.s32 $0xFFFFFF80  }
0x10e: {  	_ =	swait.ge [sflag:s5], $0x80  }
0x10f: {  	[sflag:s5] =	ssyncset.done $0x0  }
0x110: {  	[sflag:s5] =	ssyncadd.s32 $0xFFFFFF80  }
0x111: {  	_ =	swait.ge [sflag:s5], $0x80  }
0x112: {  	[sflag:s5] =	ssyncset.done $0x0  }
0x113: {  	[sflag:s5] =	ssyncadd.s32 $0xFFFFFF80  }
0x114: {  	_ =	swait.ge [sflag:s5], $0x80  }
0x115: {  	[sflag:s5] =	ssyncset.done $0x0  }
0x116: {  	s21 =	rddreg [dreg:$0x7];
	[sflag:s5] =	ssyncadd.s32 $0xFFFFFF80  }
0x117: {  	[hbm4b:s21+s2] =	stream.linear.scatter [tilespmem:s8], [sflag:$0x2], $0x200, $0x38;
	[tilespmem:$0xE00] =	vst v63  }
0x118: {  	_ =	swait.ge [sflag:s5], $0x80  }
0x119: {  	[sflag:s5] =	ssyncset.done $0x0  }
0x11a: {  	[sflag:s5] =	ssyncadd.s32 $0xFFFFFF80  }
0x11b: {  	_ =	swait.ge [sflag:s5], $0x80  }
0x11c: {  	[sflag:s5] =	ssyncset.done $0x0  }
0x11d: {  	[sflag:s5] =	ssyncadd.s32 $0xFFFFFF80  }
0x11e: {  	_ =	swait.ge [sflag:s5], $0x80  }
0x11f: {  	[sflag:s5] =	ssyncset.done $0x0  }
0x120: {  	[sflag:s5] =	ssyncadd.s32 $0xFFFFFF80  }
0x121: {  	_ =	swait.ge [sflag:s5], $0x80  }
0x122: {  	[sflag:s5] =	ssyncset.done $0x0  }
0x123: {  	s21 =	rddreg [dreg:$0x8];
	[sflag:s5] =	ssyncadd.s32 $0xFFFFFF80  }
0x124: {  	[hbm4b:s21+s2] =	stream.linear.scatter [tilespmem:s6], [sflag:$0x2], $0x200, $0x38;
	[tilespmem:$0xE00] =	vst v63  }
0x125: {  	_ =	swait.ge [sflag:s5], $0x80  }
0x126: {  	[sflag:s5] =	ssyncset.done $0x0  }
0x127: {  	[sflag:s5] =	ssyncadd.s32 $0xFFFFFF80  }
0x128: {  	_ =	swait.ge [sflag:s5], $0x80  }
0x129: {  	[sflag:s5] =	ssyncset.done $0x0  }
0x12a: {  	[sflag:s5] =	ssyncadd.s32 $0xFFFFFF80  }
0x12b: {  	_ =	swait.ge [sflag:s5], $0x80  }
0x12c: {  	[sflag:s5] =	ssyncset.done $0x0  }
0x12d: {  	[sflag:s5] =	ssyncadd.s32 $0xFFFFFF80  }
0x12e: {  	_ =	swait.ge [sflag:s5], $0x80  }
0x12f: {  	[sflag:s5] =	ssyncset.done $0x0  }
0x130: {  	s21 =	rddreg [dreg:$0x9];
	[sflag:s5] =	ssyncadd.s32 $0xFFFFFF80  }
0x131: {  	[hbm4b:s21+s2] =	stream.linear.scatter [tilespmem:s4], [sflag:$0x2], $0x200, $0x38;
	[tilespmem:$0xE00] =	vst v63  }
0x132: {  	_ =	swait.ge [sflag:s3], $0x200  }
0x133: {  	[sflag:s3] =	ssyncset.done $0x0  }
0x134: {  	[sflag:s3] =	ssyncadd.s32 $0xFFFFFE00  }
0x135: {  	_ =	swait.ge [sflag:s3], $0x200  }
0x136: {  	[sflag:s3] =	ssyncset.done $0x0  }
0x137: {  	[sflag:s3] =	ssyncadd.s32 $0xFFFFFE00  }
0x138: {  	_ =	swait.ge [sflag:s3], $0x200  }
0x139: {  	[sflag:s3] =	ssyncset.done $0x0  }
0x13a: {  	[sflag:s3] =	ssyncadd.s32 $0xFFFFFE00  }
0x13b: {  	_ =	swait.ge [sflag:s3], $0x200  }
0x13c: {  	[sflag:s3] =	ssyncset.done $0x0  }
0x13d: {  	p1 =	sne.s32 s0, $0x1;
	[sflag:s3] =	ssyncadd.s32 $0xFFFFFE00  }
.Ltmp2:
0x13e: {  	_ =	swait.ge [sflag:s3], $0x200;
	(pc) =	sbr.rel @p1 .LBB2_4-.Ltmp2, $4  }
0x13f: {  	[sflag:s3] =	ssyncset.done $0x0  }
0x140: {  	[sflag:s3] =	ssyncadd.s32 $0xFFFFFE00  }
0x141: {  	_ =	swait.ge [sflag:s3], $0x200  }
0x142: {  	s0 =	sadd.s32 $0xFFFFFFFF, s0;
	s1 =	rddreg [dreg:$0x4];
	[sflag:s3] =	ssyncset.done $0x0  }
0x143: {  	s30 =	simm.s32 $0xD00;
	s29 =	simm.s32 $0xC80;
	s28 =	simm.s32 $0xB80  }
0x144: {  	s26 =	simm.s32 $0xB00;
	s25 =	simm.s32 $0xA80;
	s24 =	simm.s32 $0x980  }
0x145: {  	s23 =	simm.s32 $0x900;
	s22 =	simm.s32 $0x880;
	s21 =	rddreg [dreg:$0x3]  }
.LBB2_6:
0x146: {  	[sflag:s3] =	ssyncadd.s32 @p0 $0xFFFFFE00  }
0x147: {  	[tilespmem:s2], [sflag:$0x3] =	stream.linear.gather [hbm4b:s1+s2], $0x200, $0x38;
	[tilespmem:$0xE00] =	vst v63  }
0x148: {  	_ =	swait.ge [sflag:s31], $0x200  }
0x149: {  	[sflag:s31] =	ssyncset.done $0x0  }
0x14a: {  	[sflag:s31] =	ssyncadd.s32 $0xFFFFFE00  }
0x14b: {  	[tilespmem:s11], [sflag:$0x1] =	stream.indirect.gather [hbm4b:s14+s18], $0x1, s2, s18, $0xb8;
	[tilespmem:$0xE00] =	vst v63  }
0x14c: {  	s0 =	rddreg [dreg:$0xa]  }
0x14d: {  	[tilespmem:s0], [sflag:$0x1] =	stream.indirect.gather [hbm4b:s14+s18], $0x1, s18, s18, $0xb8;
	[tilespmem:$0xE00] =	vst v63  }
0x14e: {  	s1 =	rddreg [dreg:$0xb]  }
0x14f: {  	[tilespmem:s1], [sflag:$0x1] =	stream.indirect.gather [hbm4b:s14+s18], $0x1, s19, s18, $0xb8;
	[tilespmem:$0xE00] =	vst v63  }
0x150: {  	s31 =	rddreg [dreg:$0xc]  }
0x151: {  	[tilespmem:s31], [sflag:$0x1] =	stream.indirect.gather [hbm4b:s14+s18], $0x1, s20, s18, $0xb8;
	[tilespmem:$0xE00] =	vst v63  }
0x152: {  	_ = 	snop  }
0x153: {  	[tilespmem:s10], [sflag:$0x1] =	stream.indirect.gather [hbm4b:s17+s18], $0x1, s2, s18, $0xb8;
	[tilespmem:$0xE00] =	vst v63  }
0x154: {  	s1 =	rddreg [dreg:$0xd]  }
0x155: {  	[tilespmem:s1], [sflag:$0x1] =	stream.indirect.gather [hbm4b:s17+s18], $0x1, s18, s18, $0xb8;
	[tilespmem:$0xE00] =	vst v63  }
0x156: {  	s14 =	rddreg [dreg:$0xe]  }
0x157: {  	[tilespmem:s14], [sflag:$0x1] =	stream.indirect.gather [hbm4b:s17+s18], $0x1, s19, s18, $0xb8;
	[tilespmem:$0xE00] =	vst v63  }
0x158: {  	s31 =	rddreg [dreg:$0xf]  }
0x159: {  	[tilespmem:s31], [sflag:$0x1] =	stream.indirect.gather [hbm4b:s17+s18], $0x1, s20, s18, $0xb8;
	[tilespmem:$0xE00] =	vst v63  }
0x15a: {  	_ = 	snop  }
0x15b: {  	[tilespmem:s9], [sflag:$0x1] =	stream.indirect.gather [hbm4b:s16+s18], $0x1, s2, s18, $0xb8;
	[tilespmem:$0xE00] =	vst v63  }
0x15c: {  	s1 =	rddreg [dreg:$0x10]  }
0x15d: {  	[tilespmem:s1], [sflag:$0x1] =	stream.indirect.gather [hbm4b:s16+s18], $0x1, s18, s18, $0xb8;
	[tilespmem:$0xE00] =	vst v63  }
0x15e: {  	s14 =	rddreg [dreg:$0x11]  }
0x15f: {  	[tilespmem:s14], [sflag:$0x1] =	stream.indirect.gather [hbm4b:s16+s18], $0x1, s19, s18, $0xb8;
	[tilespmem:$0xE00] =	vst v63  }
0x160: {  	s17 =	rddreg [dreg:$0x12]  }
0x161: {  	[tilespmem:s17], [sflag:$0x1] =	stream.indirect.gather [hbm4b:s16+s18], $0x1, s20, s18, $0xb8;
	[tilespmem:$0xE00] =	vst v63  }
0x162: {  	_ = 	snop  }
0x163: {  	[tilespmem:s8], [sflag:$0x1] =	stream.indirect.gather [hbm4b:s15+s18], $0x1, s2, s18, $0xb8;
	[tilespmem:$0xE00] =	vst v63  }
0x164: {  	_ = 	snop  }
0x165: {  	[tilespmem:s22], [sflag:$0x1] =	stream.indirect.gather [hbm4b:s15+s18], $0x1, s18, s18, $0xb8;
	[tilespmem:$0xE00] =	vst v63  }
0x166: {  	_ = 	snop  }
0x167: {  	[tilespmem:s23], [sflag:$0x1] =	stream.indirect.gather [hbm4b:s15+s18], $0x1, s19, s18, $0xb8;
	[tilespmem:$0xE00] =	vst v63  }
0x168: {  	_ = 	snop  }
0x169: {  	[tilespmem:s24], [sflag:$0x1] =	stream.indirect.gather [hbm4b:s15+s18], $0x1, s20, s18, $0xb8;
	[tilespmem:$0xE00] =	vst v63  }
0x16a: {  	_ = 	snop  }
0x16b: {  	[tilespmem:s6], [sflag:$0x1] =	stream.indirect.gather [hbm4b:s13+s18], $0x1, s2, s18, $0xb8;
	[tilespmem:$0xE00] =	vst v63  }
0x16c: {  	_ = 	snop  }
0x16d: {  	[tilespmem:s25], [sflag:$0x1] =	stream.indirect.gather [hbm4b:s13+s18], $0x1, s18, s18, $0xb8;
	[tilespmem:$0xE00] =	vst v63  }
0x16e: {  	_ = 	snop  }
0x16f: {  	[tilespmem:s26], [sflag:$0x1] =	stream.indirect.gather [hbm4b:s13+s18], $0x1, s19, s18, $0xb8;
	[tilespmem:$0xE00] =	vst v63  }
0x170: {  	_ = 	snop  }
0x171: {  	[tilespmem:s28], [sflag:$0x1] =	stream.indirect.gather [hbm4b:s13+s18], $0x1, s20, s18, $0xb8;
	[tilespmem:$0xE00] =	vst v63  }
0x172: {  	_ = 	snop  }
0x173: {  	[tilespmem:s4], [sflag:$0x1] =	stream.indirect.gather [hbm4b:s12+s18], $0x1, s2, s18, $0xb8;
	[tilespmem:$0xE00] =	vst v63  }
0x174: {  	_ = 	snop  }
0x175: {  	[tilespmem:s29], [sflag:$0x1] =	stream.indirect.gather [hbm4b:s12+s18], $0x1, s18, s18, $0xb8;
	[tilespmem:$0xE00] =	vst v63  }
0x176: {  	_ = 	snop  }
0x177: {  	[tilespmem:s30], [sflag:$0x1] =	stream.indirect.gather [hbm4b:s12+s18], $0x1, s19, s18, $0xb8;
	[tilespmem:$0xE00] =	vst v63  }
0x178: {  	s24 =	simm.s32 $0xD80  }
0x179: {  	[tilespmem:s24], [sflag:$0x1] =	stream.indirect.gather [hbm4b:s12+s18], $0x1, s20, s18, $0xb8;
	[tilespmem:$0xE00] =	vst v63  }
0x17a: {  	_ =	swait.ge [sflag:s5], $0x80  }
0x17b: {  	[sflag:s5] =	ssyncset.done $0x0  }
0x17c: {  	[sflag:s5] =	ssyncadd.s32 $0xFFFFFF80  }
0x17d: {  	_ =	swait.ge [sflag:s5], $0x80  }
0x17e: {  	[sflag:s5] =	ssyncset.done $0x0  }
0x17f: {  	[sflag:s5] =	ssyncadd.s32 $0xFFFFFF80  }
0x180: {  	_ =	swait.ge [sflag:s5], $0x80  }
0x181: {  	[sflag:s5] =	ssyncset.done $0x0  }
0x182: {  	[sflag:s5] =	ssyncadd.s32 $0xFFFFFF80  }
0x183: {  	_ =	swait.ge [sflag:s5], $0x80  }
0x184: {  	[sflag:s5] =	ssyncset.done $0x0  }
0x185: {  	[sflag:s5] =	ssyncadd.s32 $0xFFFFFF80  }
0x186: {  	[hbm4b:s7+s2] =	stream.linear.scatter [tilespmem:s11], [sflag:$0x2], $0x200, $0x38;
	[tilespmem:$0xE00] =	vst v63  }
0x187: {  	_ =	swait.ge [sflag:s5], $0x80  }
0x188: {  	[sflag:s5] =	ssyncset.done $0x0  }
0x189: {  	[sflag:s5] =	ssyncadd.s32 $0xFFFFFF80  }
0x18a: {  	_ =	swait.ge [sflag:s5], $0x80  }
0x18b: {  	[sflag:s5] =	ssyncset.done $0x0  }
0x18c: {  	[sflag:s5] =	ssyncadd.s32 $0xFFFFFF80  }
0x18d: {  	_ =	swait.ge [sflag:s5], $0x80  }
0x18e: {  	[sflag:s5] =	ssyncset.done $0x0  }
0x18f: {  	[sflag:s5] =	ssyncadd.s32 $0xFFFFFF80  }
0x190: {  	_ =	swait.ge [sflag:s5], $0x80  }
0x191: {  	[sflag:s5] =	ssyncset.done $0x0  }
0x192: {  	s25 =	rddreg [dreg:$0x5];
	[sflag:s5] =	ssyncadd.s32 $0xFFFFFF80  }
0x193: {  	[hbm4b:s25+s2] =	stream.linear.scatter [tilespmem:s10], [sflag:$0x2], $0x200, $0x38;
	[tilespmem:$0xE00] =	vst v63  }
0x194: {  	_ =	swait.ge [sflag:s5], $0x80  }
0x195: {  	[sflag:s5] =	ssyncset.done $0x0  }
0x196: {  	[sflag:s5] =	ssyncadd.s32 $0xFFFFFF80  }
0x197: {  	_ =	swait.ge [sflag:s5], $0x80  }
0x198: {  	[sflag:s5] =	ssyncset.done $0x0  }
0x199: {  	[sflag:s5] =	ssyncadd.s32 $0xFFFFFF80  }
0x19a: {  	_ =	swait.ge [sflag:s5], $0x80  }
0x19b: {  	[sflag:s5] =	ssyncset.done $0x0  }
0x19c: {  	[sflag:s5] =	ssyncadd.s32 $0xFFFFFF80  }
0x19d: {  	_ =	swait.ge [sflag:s5], $0x80  }
0x19e: {  	[sflag:s5] =	ssyncset.done $0x0  }
0x19f: {  	s26 =	rddreg [dreg:$0x6];
	[sflag:s5] =	ssyncadd.s32 $0xFFFFFF80  }
0x1a0: {  	[hbm4b:s26+s2] =	stream.linear.scatter [tilespmem:s9], [sflag:$0x2], $0x200, $0x38;
	[tilespmem:$0xE00] =	vst v63  }
0x1a1: {  	_ =	swait.ge [sflag:s5], $0x80  }
0x1a2: {  	[sflag:s5] =	ssyncset.done $0x0  }
0x1a3: {  	[sflag:s5] =	ssyncadd.s32 $0xFFFFFF80  }
0x1a4: {  	_ =	swait.ge [sflag:s5], $0x80  }
0x1a5: {  	[sflag:s5] =	ssyncset.done $0x0  }
0x1a6: {  	[sflag:s5] =	ssyncadd.s32 $0xFFFFFF80  }
0x1a7: {  	_ =	swait.ge [sflag:s5], $0x80  }
0x1a8: {  	[sflag:s5] =	ssyncset.done $0x0  }
0x1a9: {  	[sflag:s5] =	ssyncadd.s32 $0xFFFFFF80  }
0x1aa: {  	_ =	swait.ge [sflag:s5], $0x80  }
0x1ab: {  	[sflag:s5] =	ssyncset.done $0x0  }
0x1ac: {  	s28 =	rddreg [dreg:$0x7];
	[sflag:s5] =	ssyncadd.s32 $0xFFFFFF80  }
0x1ad: {  	[hbm4b:s28+s2] =	stream.linear.scatter [tilespmem:s8], [sflag:$0x2], $0x200, $0x38;
	[tilespmem:$0xE00] =	vst v63  }
0x1ae: {  	_ =	swait.ge [sflag:s5], $0x80  }
0x1af: {  	[sflag:s5] =	ssyncset.done $0x0  }
0x1b0: {  	[sflag:s5] =	ssyncadd.s32 $0xFFFFFF80  }
0x1b1: {  	_ =	swait.ge [sflag:s5], $0x80  }
0x1b2: {  	[sflag:s5] =	ssyncset.done $0x0  }
0x1b3: {  	[sflag:s5] =	ssyncadd.s32 $0xFFFFFF80  }
0x1b4: {  	_ =	swait.ge [sflag:s5], $0x80  }
0x1b5: {  	[sflag:s5] =	ssyncset.done $0x0  }
0x1b6: {  	[sflag:s5] =	ssyncadd.s32 $0xFFFFFF80  }
0x1b7: {  	_ =	swait.ge [sflag:s5], $0x80  }
0x1b8: {  	[sflag:s5] =	ssyncset.done $0x0  }
0x1b9: {  	s29 =	rddreg [dreg:$0x8];
	[sflag:s5] =	ssyncadd.s32 $0xFFFFFF80  }
0x1ba: {  	[hbm4b:s29+s2] =	stream.linear.scatter [tilespmem:s6], [sflag:$0x2], $0x200, $0x38;
	[tilespmem:$0xE00] =	vst v63  }
0x1bb: {  	_ =	swait.ge [sflag:s5], $0x80  }
0x1bc: {  	[sflag:s5] =	ssyncset.done $0x0  }
0x1bd: {  	[sflag:s5] =	ssyncadd.s32 $0xFFFFFF80  }
0x1be: {  	_ =	swait.ge [sflag:s5], $0x80  }
0x1bf: {  	[sflag:s5] =	ssyncset.done $0x0  }
0x1c0: {  	[sflag:s5] =	ssyncadd.s32 $0xFFFFFF80  }
0x1c1: {  	_ =	swait.ge [sflag:s5], $0x80  }
0x1c2: {  	[sflag:s5] =	ssyncset.done $0x0  }
0x1c3: {  	[sflag:s5] =	ssyncadd.s32 $0xFFFFFF80  }
0x1c4: {  	_ =	swait.ge [sflag:s5], $0x80  }
0x1c5: {  	[sflag:s5] =	ssyncset.done $0x0  }
0x1c6: {  	s30 =	rddreg [dreg:$0x9];
	[sflag:s5] =	ssyncadd.s32 $0xFFFFFF80  }
0x1c7: {  	[hbm4b:s30+s2] =	stream.linear.scatter [tilespmem:s4], [sflag:$0x2], $0x200, $0x38;
	[tilespmem:$0xE00] =	vst v63  }
0x1c8: {  	_ =	swait.ge [sflag:s3], $0x200  }
0x1c9: {  	[sflag:s3] =	ssyncset.done $0x0  }
0x1ca: {  	[sflag:s3] =	ssyncadd.s32 $0xFFFFFE00  }
0x1cb: {  	_ =	swait.ge [sflag:s3], $0x200  }
0x1cc: {  	[sflag:s3] =	ssyncset.done $0x0  }
0x1cd: {  	[sflag:s3] =	ssyncadd.s32 $0xFFFFFE00  }
0x1ce: {  	_ =	swait.ge [sflag:s3], $0x200  }
0x1cf: {  	[sflag:s3] =	ssyncset.done $0x0  }
0x1d0: {  	[sflag:s3] =	ssyncadd.s32 $0xFFFFFE00  }
0x1d1: {  	_ =	swait.ge [sflag:s3], $0x200  }
0x1d2: {  	[sflag:s3] =	ssyncset.done $0x0  }
0x1d3: {  	[sflag:s3] =	ssyncadd.s32 $0xFFFFFE00  }
0x1d4: {  	_ =	swait.ge [sflag:s3], $0x200  }
0x1d5: {  	[sflag:s3] =	ssyncset.done $0x0  }
0x1d6: {  	[sflag:s3] =	ssyncadd.s32 $0xFFFFFE00  }
0x1d7: {  	_ =	swait.ge [sflag:s3], $0x200  }
0x1d8: {  	[sflag:s3] =	ssyncset.done $0x0  }
0x1d9: {  	[sflag:s3] =	ssyncadd.s32 $0xFFFFFE00  }
0x1da: {  	_ =	sfence.sel $0x180000  }
0x1db: {  	s31 =	stileid.u32;
	[bflag:$0x0] =	sbarrier.arrive $0xFFFF  }
0x1dc: {  	p0 =	sne.s32 s31, $0x0;
	_ =	strace $0x90000047  }
0x1dd: {  	s0 =	sadd.s32 @!p0 $0x100000, s21;
	[bflag:$0x2] =	sbarrier.arrive $0xFFFF  }
0x1de: {  	[sflag:s0] =	ssyncadd.tile.s32 @!p0 $0x1;
	_ =	shalt  }
.LBB2_1:
.Ltmp3:
0x1df: {  	(pc) =	sbr.rel .LBB2_6-.Ltmp3, $4  }
0x1e0: {  	_ = 	snop  }
0x1e1: {  	s30 =	simm.s32 $0xD00;
	s29 =	simm.s32 $0xC80  }
0x1e2: {  	s28 =	simm.s32 $0xB80;
	s26 =	simm.s32 $0xB00;
	s25 =	simm.s32 $0xA80  }
0x1e3: {  	s24 =	simm.s32 $0x980;
	s23 =	simm.s32 $0x900;
	s22 =	simm.s32 $0x880  }
.LBB2_3:
.Ltmp4:
0x1e4: {  	(pc) =	sbr.rel .LBB2_6-.Ltmp4, $4  }
0x1e5: {  	_ = 	snop  }
0x1e6: {  	s30 =	simm.s32 $0xD00;
	s29 =	simm.s32 $0xC80;
	s28 =	simm.s32 $0xB80  }
0x1e7: {  	s26 =	simm.s32 $0xB00;
	s25 =	simm.s32 $0xA80;
	s24 =	simm.s32 $0x980  }
0x1e8: {  	s23 =	simm.s32 $0x900;
	s22 =	simm.s32 $0x880;
	s21 =	rddreg [dreg:$0x3]  }
.Lfunc_end2:
_tile_overlayer_lowered:
.L_overlay_start_2:
0x1e9: {  	(tag) =	ssettag $0x2  }
0x1ea: {  	s0 =	rddreg [dreg:$0x0];
	s2 =	stileid.u32  }
0x1eb: {  	s1 =	rddreg [dreg:$0x1];
	p0 =	sne.s32 s2, $0x0  }
0x1ec: {  	s3 =	rddreg [dreg:$0x2];
	[bflag:$0x3] =	sbarrier.arrive $0xFFFF;
	s2 =	simm.s32 @!p0 $0x1C03  }
0x1ed: {  	[timem:s3], [sflag:s2] =	dma.local @!p0 [hbm:s0], s1  }
0x1ee: {  	s0 =	simm.s32 @!p0 $0x3  }
0x1ef: {  	_ =	swait.ge @!p0 [sflag:s0], s1  }
0x1f0: {  	s1 =	ssub.s32 @!p0 $0x0, s1;
	[sflag:s0] =	ssyncset.done @!p0 $0x0  }
0x1f1: {  	[sflag:s0] =	ssyncadd.s32 @!p0 s1  }
0x1f2: {  	[bflag:$0x3] =	sbarrier.arrive $0xFFFF  }
0x1f3: {  	_ =	shalt  }

</sc_bundles>
